<compile_context>
chip_gen: v7x
topology: tpu7x:2x2x1
jax: 0.10.2.dev20260603
libtpu: 0.0.44.dev20260713+nightly
codegen_flags: <defaults>
</compile_context>

<pallas_src>
import jax
import jax.numpy as jnp
from jax import lax
from jax.experimental import pallas as pl
from jax.experimental.pallas import tpu as pltpu
from jax.experimental.pallas import tpu_sc as plsc

N = 100000
E = 3200000
D = 16
NC = 2
NS = 16
NW = NC * NS
EW = E // NW
CH = 200
NCHUNK = EW // CH
NSET = 5
NQUAD = NCHUNK // NSET
NP = 100352
RP = NP // NS
ZB = 2048
KZ = RP // ZB
RZ = RP % ZB


def _sc_body(x_hbm, ei_hbm, zagg_hbm, zcnt_hbm, ones_hbm,
             agg_out, cnt_out, *scr):
    c = lax.axis_index("c")
    s = lax.axis_index("s")
    wid = c * NS + s
    ebase = wid * EW
    IS = scr[0:NSET]
    ID = scr[NSET:2 * NSET]
    ROWS = scr[2 * NSET:3 * NSET]
    ones_v = scr[3 * NSET]
    zv = scr[3 * NSET + 1]
    agg_sh = scr[3 * NSET + 2]
    cnt_sh = scr[3 * NSET + 3]
    SI = scr[3 * NSET + 4:4 * NSET + 4]
    SG = scr[4 * NSET + 4:5 * NSET + 4]
    SS = scr[5 * NSET + 4:6 * NSET + 4]
    sZ = scr[6 * NSET + 4]

    zws = []
    for k in range(KZ):
        zws.append(pltpu.async_copy(
            zagg_hbm, agg_sh.at[pl.ds(s * RP + k * ZB, ZB)], sZ))
    zws.append(pltpu.async_copy(
        zagg_hbm.at[pl.ds(0, RZ)], agg_sh.at[pl.ds(s * RP + KZ * ZB, RZ)], sZ))
    pltpu.sync_copy(zcnt_hbm, zv)
    for k in range(KZ):
        zws.append(pltpu.async_copy(
            zv, cnt_sh.at[pl.ds(s * RP + k * ZB, ZB)], sZ))
    zws.append(pltpu.async_copy(
        zv.at[pl.ds(0, RZ)], cnt_sh.at[pl.ds(s * RP + KZ * ZB, RZ)], sZ))
    pltpu.sync_copy(ones_hbm, ones_v)
    for w in zws:
        w.wait()
    plsc.subcore_barrier()

    def idx_start(chunk, j, sem):
        b = ebase + chunk * CH
        pltpu.async_copy(ei_hbm.at[0, pl.ds(b, CH)], IS[j], sem)
        pltpu.async_copy(ei_hbm.at[1, pl.ds(b, CH)], ID[j], sem)

    def idx_wait(j, sem):
        pltpu.make_async_copy(ei_hbm.at[0, pl.ds(0, CH)], IS[j], sem).wait()
        pltpu.make_async_copy(ei_hbm.at[0, pl.ds(0, CH)], ID[j], sem).wait()

    for j in range(NSET):
        idx_start(j, j, SI[j])

    def quad(q, carry):
        k0 = q * NSET
        gs = []
        for j in range(NSET):
            idx_wait(j, SI[j])
            gs.append(pltpu.async_copy(x_hbm.at[IS[j]], ROWS[j], SG[j]))
        sc = []
        for j in range(NSET):
            gs[j].wait()
            sc.append(pltpu.async_copy(ROWS[j], agg_sh.at[ID[j]], SS[j], add=True))
            sc.append(pltpu.async_copy(ones_v, cnt_sh.at[ID[j]], SS[j], add=True))
        for j in range(NSET):
            sc[2 * j].wait()
            sc[2 * j + 1].wait()
            nxt = jnp.minimum(k0 + NSET + j, NCHUNK - 1)
            idx_start(nxt, j, SI[j])
        return carry

    lax.fori_loop(0, NQUAD, quad, 0)
    for j in range(NSET):
        idx_wait(j, SI[j])
    plsc.subcore_barrier()

    wb = pltpu.async_copy(agg_sh.at[pl.ds(s * RP, RP)],
                          agg_out.at[pl.ds(c * NP + s * RP, RP)], sZ)
    for k in range(KZ):
        pltpu.sync_copy(cnt_sh.at[pl.ds(s * RP + k * ZB, ZB)], zv)
        pltpu.sync_copy(zv, cnt_out.at[pl.ds(c * NP + s * RP + k * ZB, ZB)])
    pltpu.sync_copy(cnt_sh.at[pl.ds(s * RP + KZ * ZB, RZ)], zv.at[pl.ds(0, RZ)])
    pltpu.sync_copy(zv.at[pl.ds(0, RZ)],
                    cnt_out.at[pl.ds(c * NP + s * RP + KZ * ZB, RZ)])
    wb.wait()


def _sc_scatter(x, ei, zagg, zcnt, ones):
    mesh = plsc.VectorSubcoreMesh(core_axis_name="c", subcore_axis_name="s")
    f = pl.kernel(
        _sc_body,
        out_type=[
            jax.ShapeDtypeStruct((NC * NP, D), jnp.float32),
            jax.ShapeDtypeStruct((NC * NP,), jnp.float32),
        ],
        mesh=mesh,
        scratch_types=(
            [pltpu.VMEM((CH,), jnp.int32) for _ in range(2 * NSET)]
            + [pltpu.VMEM((CH, D), jnp.float32) for _ in range(NSET)]
            + [
                pltpu.VMEM((CH,), jnp.float32),
                pltpu.VMEM((ZB,), jnp.float32),
                pltpu.VMEM_SHARED((NP, D), jnp.float32),
                pltpu.VMEM_SHARED((NP,), jnp.float32),
            ]
            + [pltpu.SemaphoreType.DMA for _ in range(3 * NSET + 1)]
        ),
        compiler_params=pltpu.CompilerParams(use_tc_tiling_on_sc=False),
    )
    return f(x, ei, zagg, zcnt, ones)


BR = 7168
GRID = NP // BR


def _tc_body(agg0_ref, agg1_ref, cnt0_ref, cnt1_ref, x_ref,
             wl_ref, bl_ref, wr_ref, o_ref):
    a = agg0_ref[...] + agg1_ref[...]
    cnt = cnt0_ref[...] + cnt1_ref[...]
    mean = a / jnp.maximum(cnt, 1.0)[:, None]
    t1 = lax.dot_general(mean, wl_ref[...], (((1,), (1,)), ((), ())),
                         preferred_element_type=jnp.float32)
    t2 = lax.dot_general(x_ref[...], wr_ref[...], (((1,), (1,)), ((), ())),
                         preferred_element_type=jnp.float32)
    o_ref[...] = t1 + t2 + bl_ref[...]


def _tc_combine(agg2, cnt2, x, W_l, b_l, W_r):
    return pl.pallas_call(
        _tc_body,
        grid=(GRID,),
        in_specs=[
            pl.BlockSpec((BR, D), lambda i: (i, 0)),
            pl.BlockSpec((BR, D), lambda i: (i + GRID, 0)),
            pl.BlockSpec((BR,), lambda i: (i,)),
            pl.BlockSpec((BR,), lambda i: (i + GRID,)),
            pl.BlockSpec((BR, D), lambda i: (i, 0)),
            pl.BlockSpec((D, D), lambda i: (0, 0)),
            pl.BlockSpec((1, D), lambda i: (0, 0)),
            pl.BlockSpec((D, D), lambda i: (0, 0)),
        ],
        out_specs=pl.BlockSpec((BR, D), lambda i: (i, 0)),
        out_shape=jax.ShapeDtypeStruct((N, D), jnp.float32),
    )(agg2, agg2, cnt2, cnt2, x, W_l, b_l, W_r)


@jax.jit
def kernel(x, edge_index, W_l, b_l, W_r):
    ei = edge_index.astype(jnp.int32)
    zagg = jnp.zeros((ZB, D), jnp.float32)
    zcnt = jnp.zeros((ZB,), jnp.float32)
    ones = jnp.ones((CH,), jnp.float32)
    agg2, cnt2 = _sc_scatter(x, ei, zagg, zcnt, ones)
    return _tc_combine(agg2, cnt2, x, W_l, b_l.reshape(1, D), W_r)

# --- scband reference (transcript-rebuilt; emitter-appended) ---
"""Pipeline reference for scband-net1-71038759076121 (READ-ONLY COPY).

The authoritative reference and input builder live on the scoring server;
editing this copy changes nothing except your own understanding.
"""

import jax, jax.numpy as jnp
import numpy as np

N_NODES = 100000
N_EDGES = 3200000
D = 16

def setup_inputs(seed: int = 0) -> dict:
    key = jax.random.key(seed)
    k1, k2, k3, k4, k5 = jax.random.split(key, 5)
    x = jax.random.normal(k1, (N_NODES, D), dtype=jnp.float32)
    edge_index = jax.random.randint(k2, (2, N_EDGES), 0, N_NODES, dtype=jnp.int64)
    # SAGEConv parameters: lin_l (applied to aggregated neighbors, with bias),
    # lin_r (applied to root/self features, no bias) - matches PyG SAGEConv defaults.
    s = 1.0 / np.sqrt(D)
    W_l = jax.random.uniform(k3, (D, D), dtype=jnp.float32, minval=-s, maxval=s)
    b_l = jax.random.uniform(k4, (D,), dtype=jnp.float32, minval=-s, maxval=s)
    W_r = jax.random.uniform(k5, (D, D), dtype=jnp.float32, minval=-s, maxval=s)
    return {"x": x, "edge_index": edge_index, "W_l": W_l, "b_l": b_l, "W_r": W_r}

def reference(x, edge_index, W_l, b_l, W_r):
    # SAGEConv with mean aggregation:
    # out = lin_l(mean_{j in N(i)} x_j) + lin_r(x_i)
    src = edge_index[0]
    dst = edge_index[1]
    msgs = x[src]  # gather: [E, D]
    n = x.shape[0]
    agg = jax.ops.segment_sum(msgs, dst, num_segments=n)  # scatter-add
    cnt = jax.ops.segment_sum(jnp.ones((msgs.shape[0],), dtype=x.dtype), dst, num_segments=n)
    mean = agg / jnp.clip(cnt, 1.0)[:, None]
    out = mean @ W_l.T + b_l + x @ W_r.T
    return out

if __name__ == "__main__":
    import jax
    _d = setup_inputs()
    print(jax.jit(kernel)(*tuple(_d.values())))

</pallas_src>

<mosaic_0001>
#map = affine_map<(d0, d1) -> (0, 0)>
#map1 = affine_map<(d0, d1) -> (0)>
module attributes {stable_mosaic.version = 14 : i64} {
  func.func @_sc_body(%arg0: i32, %arg1: i32, %arg2: memref<100000x16xf32, #tpu.memory_space<hbm>>, %arg3: memref<2x3200000xi32, #tpu.memory_space<hbm>>, %arg4: memref<2048x16xf32, #tpu.memory_space<hbm>>, %arg5: memref<2048xf32, #tpu.memory_space<hbm>>, %arg6: memref<200xf32, #tpu.memory_space<hbm>>, %arg7: memref<200704x16xf32, #tpu.memory_space<hbm>>, %arg8: memref<200704xf32, #tpu.memory_space<hbm>>, %arg9: memref<200xi32, #tpu.memory_space<vmem>>, %arg10: memref<200xi32, #tpu.memory_space<vmem>>, %arg11: memref<200xi32, #tpu.memory_space<vmem>>, %arg12: memref<200xi32, #tpu.memory_space<vmem>>, %arg13: memref<200xi32, #tpu.memory_space<vmem>>, %arg14: memref<200xi32, #tpu.memory_space<vmem>>, %arg15: memref<200xi32, #tpu.memory_space<vmem>>, %arg16: memref<200xi32, #tpu.memory_space<vmem>>, %arg17: memref<200xi32, #tpu.memory_space<vmem>>, %arg18: memref<200xi32, #tpu.memory_space<vmem>>, %arg19: memref<200x16xf32, #tpu.memory_space<vmem>>, %arg20: memref<200x16xf32, #tpu.memory_space<vmem>>, %arg21: memref<200x16xf32, #tpu.memory_space<vmem>>, %arg22: memref<200x16xf32, #tpu.memory_space<vmem>>, %arg23: memref<200x16xf32, #tpu.memory_space<vmem>>, %arg24: memref<200xf32, #tpu.memory_space<vmem>>, %arg25: memref<2048xf32, #tpu.memory_space<vmem>>, %arg26: memref<100352x16xf32, #tpu.memory_space<vmem_shared>>, %arg27: memref<100352xf32, #tpu.memory_space<vmem_shared>>, %arg28: memref<!tpu.dma_semaphore, #tpu.memory_space<semaphore_mem>>, %arg29: memref<!tpu.dma_semaphore, #tpu.memory_space<semaphore_mem>>, %arg30: memref<!tpu.dma_semaphore, #tpu.memory_space<semaphore_mem>>, %arg31: memref<!tpu.dma_semaphore, #tpu.memory_space<semaphore_mem>>, %arg32: memref<!tpu.dma_semaphore, #tpu.memory_space<semaphore_mem>>, %arg33: memref<!tpu.dma_semaphore, #tpu.memory_space<semaphore_mem>>, %arg34: memref<!tpu.dma_semaphore, #tpu.memory_space<semaphore_mem>>, %arg35: memref<!tpu.dma_semaphore, #tpu.memory_space<semaphore_mem>>, %arg36: memref<!tpu.dma_semaphore, #tpu.memory_space<semaphore_mem>>, %arg37: memref<!tpu.dma_semaphore, #tpu.memory_space<semaphore_mem>>, %arg38: memref<!tpu.dma_semaphore, #tpu.memory_space<semaphore_mem>>, %arg39: memref<!tpu.dma_semaphore, #tpu.memory_space<semaphore_mem>>, %arg40: memref<!tpu.dma_semaphore, #tpu.memory_space<semaphore_mem>>, %arg41: memref<!tpu.dma_semaphore, #tpu.memory_space<semaphore_mem>>, %arg42: memref<!tpu.dma_semaphore, #tpu.memory_space<semaphore_mem>>, %arg43: memref<!tpu.dma_semaphore, #tpu.memory_space<semaphore_mem>>) attributes {dimension_semantics = [#tpu.dimension_semantics<core_parallel>, #tpu.dimension_semantics<subcore_parallel>], iteration_bounds = array<i64: 2, 16>, scalar_prefetch = 0 : i64, scratch_operands = 35 : i64, tpu.core_type = #tpu.core_type<sc_vector_subcore>, window_params = [{transform_indices = #map}, {transform_indices = #map}, {transform_indices = #map}, {transform_indices = #map1}, {transform_indices = #map1}, {transform_indices = #map}, {transform_indices = #map1}]} {
    %mul3A = arith.constant 16 : i32
    %mul3A_0 = arith.muli %arg0, %mul3A : i32
    %add3A = arith.addi %mul3A_0, %arg1 : i32
    %mul3A_1 = arith.constant 100000 : i32
    %mul3A_2 = arith.muli %add3A, %mul3A_1 : i32
    %mul3A_3 = arith.constant 6272 : i32
    %mul3A_4 = arith.muli %arg1, %mul3A_3 : i32
    %add3A_5 = arith.constant 0 : i32
    %add3A_6 = arith.addi %mul3A_4, %add3A_5 : i32
    %dma_start3A = arith.constant 0 : i32
    %dma_start3A_7 = tpu.memref_slice %arg26[%add3A_6, %dma_start3A] : memref<100352x16xf32, #tpu.memory_space<vmem_shared>> -> memref<2048x16xf32, #tpu.memory_space<vmem_shared>>
    tpu.enqueue_dma source(%arg4 : memref<2048x16xf32, #tpu.memory_space<hbm>>) target(%dma_start3A_7 : memref<2048x16xf32, #tpu.memory_space<vmem_shared>>) target_semaphore(%arg43 : memref<!tpu.dma_semaphore, #tpu.memory_space<semaphore_mem>>)
    %mul3A_8 = arith.constant 6272 : i32
    %mul3A_9 = arith.muli %arg1, %mul3A_8 : i32
    %add3A_10 = arith.constant 2048 : i32
    %add3A_11 = arith.addi %mul3A_9, %add3A_10 : i32
    %dma_start3A_12 = arith.constant 0 : i32
    %dma_start3A_13 = tpu.memref_slice %arg26[%add3A_11, %dma_start3A_12] : memref<100352x16xf32, #tpu.memory_space<vmem_shared>> -> memref<2048x16xf32, #tpu.memory_space<vmem_shared>>
    tpu.enqueue_dma source(%arg4 : memref<2048x16xf32, #tpu.memory_space<hbm>>) target(%dma_start3A_13 : memref<2048x16xf32, #tpu.memory_space<vmem_shared>>) target_semaphore(%arg43 : memref<!tpu.dma_semaphore, #tpu.memory_space<semaphore_mem>>)
    %mul3A_14 = arith.constant 6272 : i32
    %mul3A_15 = arith.muli %arg1, %mul3A_14 : i32
    %add3A_16 = arith.constant 4096 : i32
    %add3A_17 = arith.addi %mul3A_15, %add3A_16 : i32
    %dma_start3A_18 = arith.constant 0 : i32
    %dma_start3A_19 = tpu.memref_slice %arg26[%add3A_17, %dma_start3A_18] : memref<100352x16xf32, #tpu.memory_space<vmem_shared>> -> memref<2048x16xf32, #tpu.memory_space<vmem_shared>>
    tpu.enqueue_dma source(%arg4 : memref<2048x16xf32, #tpu.memory_space<hbm>>) target(%dma_start3A_19 : memref<2048x16xf32, #tpu.memory_space<vmem_shared>>) target_semaphore(%arg43 : memref<!tpu.dma_semaphore, #tpu.memory_space<semaphore_mem>>)
    %mul3A_20 = arith.constant 6272 : i32
    %mul3A_21 = arith.muli %arg1, %mul3A_20 : i32
    %add3A_22 = arith.constant 6144 : i32
    %add3A_23 = arith.addi %mul3A_21, %add3A_22 : i32
    %dma_start3A_24 = arith.constant 0 : i32
    %dma_start3A_25 = tpu.memref_slice %arg26[%add3A_23, %dma_start3A_24] : memref<100352x16xf32, #tpu.memory_space<vmem_shared>> -> memref<128x16xf32, #tpu.memory_space<vmem_shared>>
    %dma_start3A_26 = arith.constant 0 : i32
    %dma_start3A_27 = arith.constant 0 : i32
    %dma_start3A_28 = tpu.memref_slice %arg4[%dma_start3A_26, %dma_start3A_27] : memref<2048x16xf32, #tpu.memory_space<hbm>> -> memref<128x16xf32, #tpu.memory_space<hbm>>
    tpu.enqueue_dma source(%dma_start3A_28 : memref<128x16xf32, #tpu.memory_space<hbm>>) target(%dma_start3A_25 : memref<128x16xf32, #tpu.memory_space<vmem_shared>>) target_semaphore(%arg43 : memref<!tpu.dma_semaphore, #tpu.memory_space<semaphore_mem>>)
    "tpu.region"() ({
      %run_scoped3A = tpu.sem_alloc : memref<!tpu.dma_semaphore, #tpu.memory_space<semaphore_mem>>
      tpu.enqueue_dma source(%arg5 : memref<2048xf32, #tpu.memory_space<hbm>>) target(%arg25 : memref<2048xf32, #tpu.memory_space<vmem>>) target_semaphore(%run_scoped3A : memref<!tpu.dma_semaphore, #tpu.memory_space<semaphore_mem>>)
      tpu.wait_dma2 semaphore(%run_scoped3A : memref<!tpu.dma_semaphore, #tpu.memory_space<semaphore_mem>>) src(%arg5 : memref<2048xf32, #tpu.memory_space<hbm>>) dst(%arg25 : memref<2048xf32, #tpu.memory_space<vmem>>)
      tpu.yield
    }) : () -> ()
    %mul3A_29 = arith.constant 6272 : i32
    %mul3A_30 = arith.muli %arg1, %mul3A_29 : i32
    %add3A_31 = arith.constant 0 : i32
    %add3A_32 = arith.addi %mul3A_30, %add3A_31 : i32
    %dma_start3A_33 = tpu.memref_slice %arg27[%add3A_32] : memref<100352xf32, #tpu.memory_space<vmem_shared>> -> memref<2048xf32, #tpu.memory_space<vmem_shared>>
    %dma_start3A_34 = tpu.memref_slice %arg27[%add3A_32] : memref<100352xf32, #tpu.memory_space<vmem_shared>> -> memref<2048xf32, #tpu.memory_space<vmem_shared>>
    tpu.enqueue_dma source(%arg25 : memref<2048xf32, #tpu.memory_space<vmem>>) target(%dma_start3A_34 : memref<2048xf32, #tpu.memory_space<vmem_shared>>) target_semaphore(%arg43 : memref<!tpu.dma_semaphore, #tpu.memory_space<semaphore_mem>>)
    %mul3A_35 = arith.constant 6272 : i32
    %mul3A_36 = arith.muli %arg1, %mul3A_35 : i32
    %add3A_37 = arith.constant 2048 : i32
    %add3A_38 = arith.addi %mul3A_36, %add3A_37 : i32
    %dma_start3A_39 = tpu.memref_slice %arg27[%add3A_38] : memref<100352xf32, #tpu.memory_space<vmem_shared>> -> memref<2048xf32, #tpu.memory_space<vmem_shared>>
    %dma_start3A_40 = tpu.memref_slice %arg27[%add3A_38] : memref<100352xf32, #tpu.memory_space<vmem_shared>> -> memref<2048xf32, #tpu.memory_space<vmem_shared>>
    tpu.enqueue_dma source(%arg25 : memref<2048xf32, #tpu.memory_space<vmem>>) target(%dma_start3A_40 : memref<2048xf32, #tpu.memory_space<vmem_shared>>) target_semaphore(%arg43 : memref<!tpu.dma_semaphore, #tpu.memory_space<semaphore_mem>>)
    %mul3A_41 = arith.constant 6272 : i32
    %mul3A_42 = arith.muli %arg1, %mul3A_41 : i32
    %add3A_43 = arith.constant 4096 : i32
    %add3A_44 = arith.addi %mul3A_42, %add3A_43 : i32
    %dma_start3A_45 = tpu.memref_slice %arg27[%add3A_44] : memref<100352xf32, #tpu.memory_space<vmem_shared>> -> memref<2048xf32, #tpu.memory_space<vmem_shared>>
    %dma_start3A_46 = tpu.memref_slice %arg27[%add3A_44] : memref<100352xf32, #tpu.memory_space<vmem_shared>> -> memref<2048xf32, #tpu.memory_space<vmem_shared>>
    tpu.enqueue_dma source(%arg25 : memref<2048xf32, #tpu.memory_space<vmem>>) target(%dma_start3A_46 : memref<2048xf32, #tpu.memory_space<vmem_shared>>) target_semaphore(%arg43 : memref<!tpu.dma_semaphore, #tpu.memory_space<semaphore_mem>>)
    %mul3A_47 = arith.constant 6272 : i32
    %mul3A_48 = arith.muli %arg1, %mul3A_47 : i32
    %add3A_49 = arith.constant 6144 : i32
    %add3A_50 = arith.addi %mul3A_48, %add3A_49 : i32
    %dma_start3A_51 = arith.constant 0 : i32
    %dma_start3A_52 = tpu.memref_slice %arg25[%dma_start3A_51] : memref<2048xf32, #tpu.memory_space<vmem>> -> memref<128xf32, #tpu.memory_space<vmem>>
    %dma_start3A_53 = tpu.memref_slice %arg27[%add3A_50] : memref<100352xf32, #tpu.memory_space<vmem_shared>> -> memref<128xf32, #tpu.memory_space<vmem_shared>>
    %dma_start3A_54 = tpu.memref_slice %arg27[%add3A_50] : memref<100352xf32, #tpu.memory_space<vmem_shared>> -> memref<128xf32, #tpu.memory_space<vmem_shared>>
    %dma_start3A_55 = arith.constant 0 : i32
    %dma_start3A_56 = tpu.memref_slice %arg25[%dma_start3A_55] : memref<2048xf32, #tpu.memory_space<vmem>> -> memref<128xf32, #tpu.memory_space<vmem>>
    tpu.enqueue_dma source(%dma_start3A_56 : memref<128xf32, #tpu.memory_space<vmem>>) target(%dma_start3A_54 : memref<128xf32, #tpu.memory_space<vmem_shared>>) target_semaphore(%arg43 : memref<!tpu.dma_semaphore, #tpu.memory_space<semaphore_mem>>)
    "tpu.region"() ({
      %run_scoped3A = tpu.sem_alloc : memref<!tpu.dma_semaphore, #tpu.memory_space<semaphore_mem>>
      tpu.enqueue_dma source(%arg6 : memref<200xf32, #tpu.memory_space<hbm>>) target(%arg24 : memref<200xf32, #tpu.memory_space<vmem>>) target_semaphore(%run_scoped3A : memref<!tpu.dma_semaphore, #tpu.memory_space<semaphore_mem>>)
      tpu.wait_dma2 semaphore(%run_scoped3A : memref<!tpu.dma_semaphore, #tpu.memory_space<semaphore_mem>>) src(%arg6 : memref<200xf32, #tpu.memory_space<hbm>>) dst(%arg24 : memref<200xf32, #tpu.memory_space<vmem>>)
      tpu.yield
    }) : () -> ()
    %dma_wait3A = arith.constant 0 : i32
    %dma_wait3A_57 = tpu.memref_slice %arg26[%add3A_6, %dma_wait3A] : memref<100352x16xf32, #tpu.memory_space<vmem_shared>> -> memref<2048x16xf32, #tpu.memory_space<vmem_shared>>
    tpu.wait_dma2 semaphore(%arg43 : memref<!tpu.dma_semaphore, #tpu.memory_space<semaphore_mem>>) src(%arg4 : memref<2048x16xf32, #tpu.memory_space<hbm>>) dst(%dma_wait3A_57 : memref<2048x16xf32, #tpu.memory_space<vmem_shared>>)
    %dma_wait3A_58 = arith.constant 0 : i32
    %dma_wait3A_59 = tpu.memref_slice %arg26[%add3A_11, %dma_wait3A_58] : memref<100352x16xf32, #tpu.memory_space<vmem_shared>> -> memref<2048x16xf32, #tpu.memory_space<vmem_shared>>
    tpu.wait_dma2 semaphore(%arg43 : memref<!tpu.dma_semaphore, #tpu.memory_space<semaphore_mem>>) src(%arg4 : memref<2048x16xf32, #tpu.memory_space<hbm>>) dst(%dma_wait3A_59 : memref<2048x16xf32, #tpu.memory_space<vmem_shared>>)
    %dma_wait3A_60 = arith.constant 0 : i32
    %dma_wait3A_61 = tpu.memref_slice %arg26[%add3A_17, %dma_wait3A_60] : memref<100352x16xf32, #tpu.memory_space<vmem_shared>> -> memref<2048x16xf32, #tpu.memory_space<vmem_shared>>
    tpu.wait_dma2 semaphore(%arg43 : memref<!tpu.dma_semaphore, #tpu.memory_space<semaphore_mem>>) src(%arg4 : memref<2048x16xf32, #tpu.memory_space<hbm>>) dst(%dma_wait3A_61 : memref<2048x16xf32, #tpu.memory_space<vmem_shared>>)
    %dma_wait3A_62 = arith.constant 0 : i32
    %dma_wait3A_63 = tpu.memref_slice %arg26[%add3A_23, %dma_wait3A_62] : memref<100352x16xf32, #tpu.memory_space<vmem_shared>> -> memref<128x16xf32, #tpu.memory_space<vmem_shared>>
    %dma_wait3A_64 = arith.constant 0 : i32
    %dma_wait3A_65 = arith.constant 0 : i32
    %dma_wait3A_66 = tpu.memref_slice %arg4[%dma_wait3A_64, %dma_wait3A_65] : memref<2048x16xf32, #tpu.memory_space<hbm>> -> memref<128x16xf32, #tpu.memory_space<hbm>>
    tpu.wait_dma2 semaphore(%arg43 : memref<!tpu.dma_semaphore, #tpu.memory_space<semaphore_mem>>) src(%dma_wait3A_66 : memref<128x16xf32, #tpu.memory_space<hbm>>) dst(%dma_wait3A_63 : memref<128x16xf32, #tpu.memory_space<vmem_shared>>)
    %dma_wait3A_67 = tpu.memref_slice %arg27[%add3A_32] : memref<100352xf32, #tpu.memory_space<vmem_shared>> -> memref<2048xf32, #tpu.memory_space<vmem_shared>>
    %dma_wait3A_68 = tpu.memref_slice %arg27[%add3A_32] : memref<100352xf32, #tpu.memory_space<vmem_shared>> -> memref<2048xf32, #tpu.memory_space<vmem_shared>>
    tpu.wait_dma2 semaphore(%arg43 : memref<!tpu.dma_semaphore, #tpu.memory_space<semaphore_mem>>) src(%arg25 : memref<2048xf32, #tpu.memory_space<vmem>>) dst(%dma_wait3A_68 : memref<2048xf32, #tpu.memory_space<vmem_shared>>)
    %dma_wait3A_69 = tpu.memref_slice %arg27[%add3A_38] : memref<100352xf32, #tpu.memory_space<vmem_shared>> -> memref<2048xf32, #tpu.memory_space<vmem_shared>>
    %dma_wait3A_70 = tpu.memref_slice %arg27[%add3A_38] : memref<100352xf32, #tpu.memory_space<vmem_shared>> -> memref<2048xf32, #tpu.memory_space<vmem_shared>>
    tpu.wait_dma2 semaphore(%arg43 : memref<!tpu.dma_semaphore, #tpu.memory_space<semaphore_mem>>) src(%arg25 : memref<2048xf32, #tpu.memory_space<vmem>>) dst(%dma_wait3A_70 : memref<2048xf32, #tpu.memory_space<vmem_shared>>)
    %dma_wait3A_71 = tpu.memref_slice %arg27[%add3A_44] : memref<100352xf32, #tpu.memory_space<vmem_shared>> -> memref<2048xf32, #tpu.memory_space<vmem_shared>>
    %dma_wait3A_72 = tpu.memref_slice %arg27[%add3A_44] : memref<100352xf32, #tpu.memory_space<vmem_shared>> -> memref<2048xf32, #tpu.memory_space<vmem_shared>>
    tpu.wait_dma2 semaphore(%arg43 : memref<!tpu.dma_semaphore, #tpu.memory_space<semaphore_mem>>) src(%arg25 : memref<2048xf32, #tpu.memory_space<vmem>>) dst(%dma_wait3A_72 : memref<2048xf32, #tpu.memory_space<vmem_shared>>)
    %dma_wait3A_73 = arith.constant 0 : i32
    %dma_wait3A_74 = tpu.memref_slice %arg25[%dma_wait3A_73] : memref<2048xf32, #tpu.memory_space<vmem>> -> memref<128xf32, #tpu.memory_space<vmem>>
    %dma_wait3A_75 = tpu.memref_slice %arg27[%add3A_50] : memref<100352xf32, #tpu.memory_space<vmem_shared>> -> memref<128xf32, #tpu.memory_space<vmem_shared>>
    %dma_wait3A_76 = tpu.memref_slice %arg27[%add3A_50] : memref<100352xf32, #tpu.memory_space<vmem_shared>> -> memref<128xf32, #tpu.memory_space<vmem_shared>>
    %dma_wait3A_77 = arith.constant 0 : i32
    %dma_wait3A_78 = tpu.memref_slice %arg25[%dma_wait3A_77] : memref<2048xf32, #tpu.memory_space<vmem>> -> memref<128xf32, #tpu.memory_space<vmem>>
    tpu.wait_dma2 semaphore(%arg43 : memref<!tpu.dma_semaphore, #tpu.memory_space<semaphore_mem>>) src(%dma_wait3A_78 : memref<128xf32, #tpu.memory_space<vmem>>) dst(%dma_wait3A_76 : memref<128xf32, #tpu.memory_space<vmem_shared>>)
    %barrier3A = arith.constant 0 : index
    tpu.barrier barrier_id(%barrier3A)
    %add3A_79 = arith.constant 0 : i32
    %add3A_80 = arith.addi %mul3A_2, %add3A_79 : i32
    %dma_start3A_81 = arith.constant 0 : i32
    %dma_start3A_82 = tpu.memref_slice %arg3[%dma_start3A_81, %add3A_80] : memref<2x3200000xi32, #tpu.memory_space<hbm>> -> memref<1x200xi32, #tpu.memory_space<hbm>>
    %dma_start3A_83 = tpu.memref_squeeze %dma_start3A_82 : memref<1x200xi32, #tpu.memory_space<hbm>> -> memref<200xi32, #tpu.memory_space<hbm>>
    %dma_start3A_84 = tpu.memref_slice %arg3[%dma_start3A_81, %add3A_80] : memref<2x3200000xi32, #tpu.memory_space<hbm>> -> memref<1x200xi32, #tpu.memory_space<hbm>>
    %dma_start3A_85 = tpu.memref_squeeze %dma_start3A_84 : memref<1x200xi32, #tpu.memory_space<hbm>> -> memref<200xi32, #tpu.memory_space<hbm>>
    tpu.enqueue_dma source(%dma_start3A_85 : memref<200xi32, #tpu.memory_space<hbm>>) target(%arg9 : memref<200xi32, #tpu.memory_space<vmem>>) target_semaphore(%arg28 : memref<!tpu.dma_semaphore, #tpu.memory_space<semaphore_mem>>)
    %dma_start3A_86 = arith.constant 1 : i32
    %dma_start3A_87 = tpu.memref_slice %arg3[%dma_start3A_86, %add3A_80] : memref<2x3200000xi32, #tpu.memory_space<hbm>> -> memref<1x200xi32, #tpu.memory_space<hbm>>
    %dma_start3A_88 = tpu.memref_squeeze %dma_start3A_87 : memref<1x200xi32, #tpu.memory_space<hbm>> -> memref<200xi32, #tpu.memory_space<hbm>>
    %dma_start3A_89 = tpu.memref_slice %arg3[%dma_start3A_86, %add3A_80] : memref<2x3200000xi32, #tpu.memory_space<hbm>> -> memref<1x200xi32, #tpu.memory_space<hbm>>
    %dma_start3A_90 = tpu.memref_squeeze %dma_start3A_89 : memref<1x200xi32, #tpu.memory_space<hbm>> -> memref<200xi32, #tpu.memory_space<hbm>>
    tpu.enqueue_dma source(%dma_start3A_90 : memref<200xi32, #tpu.memory_space<hbm>>) target(%arg14 : memref<200xi32, #tpu.memory_space<vmem>>) target_semaphore(%arg28 : memref<!tpu.dma_semaphore, #tpu.memory_space<semaphore_mem>>)
    %add3A_91 = arith.constant 200 : i32
    %add3A_92 = arith.addi %mul3A_2, %add3A_91 : i32
    %dma_start3A_93 = arith.constant 0 : i32
    %dma_start3A_94 = tpu.memref_slice %arg3[%dma_start3A_93, %add3A_92] : memref<2x3200000xi32, #tpu.memory_space<hbm>> -> memref<1x200xi32, #tpu.memory_space<hbm>>
    %dma_start3A_95 = tpu.memref_squeeze %dma_start3A_94 : memref<1x200xi32, #tpu.memory_space<hbm>> -> memref<200xi32, #tpu.memory_space<hbm>>
    %dma_start3A_96 = tpu.memref_slice %arg3[%dma_start3A_93, %add3A_92] : memref<2x3200000xi32, #tpu.memory_space<hbm>> -> memref<1x200xi32, #tpu.memory_space<hbm>>
    %dma_start3A_97 = tpu.memref_squeeze %dma_start3A_96 : memref<1x200xi32, #tpu.memory_space<hbm>> -> memref<200xi32, #tpu.memory_space<hbm>>
    tpu.enqueue_dma source(%dma_start3A_97 : memref<200xi32, #tpu.memory_space<hbm>>) target(%arg10 : memref<200xi32, #tpu.memory_space<vmem>>) target_semaphore(%arg29 : memref<!tpu.dma_semaphore, #tpu.memory_space<semaphore_mem>>)
    %dma_start3A_98 = arith.constant 1 : i32
    %dma_start3A_99 = tpu.memref_slice %arg3[%dma_start3A_98, %add3A_92] : memref<2x3200000xi32, #tpu.memory_space<hbm>> -> memref<1x200xi32, #tpu.memory_space<hbm>>
    %dma_start3A_100 = tpu.memref_squeeze %dma_start3A_99 : memref<1x200xi32, #tpu.memory_space<hbm>> -> memref<200xi32, #tpu.memory_space<hbm>>
    %dma_start3A_101 = tpu.memref_slice %arg3[%dma_start3A_98, %add3A_92] : memref<2x3200000xi32, #tpu.memory_space<hbm>> -> memref<1x200xi32, #tpu.memory_space<hbm>>
    %dma_start3A_102 = tpu.memref_squeeze %dma_start3A_101 : memref<1x200xi32, #tpu.memory_space<hbm>> -> memref<200xi32, #tpu.memory_space<hbm>>
    tpu.enqueue_dma source(%dma_start3A_102 : memref<200xi32, #tpu.memory_space<hbm>>) target(%arg15 : memref<200xi32, #tpu.memory_space<vmem>>) target_semaphore(%arg29 : memref<!tpu.dma_semaphore, #tpu.memory_space<semaphore_mem>>)
    %add3A_103 = arith.constant 400 : i32
    %add3A_104 = arith.addi %mul3A_2, %add3A_103 : i32
    %dma_start3A_105 = arith.constant 0 : i32
    %dma_start3A_106 = tpu.memref_slice %arg3[%dma_start3A_105, %add3A_104] : memref<2x3200000xi32, #tpu.memory_space<hbm>> -> memref<1x200xi32, #tpu.memory_space<hbm>>
    %dma_start3A_107 = tpu.memref_squeeze %dma_start3A_106 : memref<1x200xi32, #tpu.memory_space<hbm>> -> memref<200xi32, #tpu.memory_space<hbm>>
    %dma_start3A_108 = tpu.memref_slice %arg3[%dma_start3A_105, %add3A_104] : memref<2x3200000xi32, #tpu.memory_space<hbm>> -> memref<1x200xi32, #tpu.memory_space<hbm>>
    %dma_start3A_109 = tpu.memref_squeeze %dma_start3A_108 : memref<1x200xi32, #tpu.memory_space<hbm>> -> memref<200xi32, #tpu.memory_space<hbm>>
    tpu.enqueue_dma source(%dma_start3A_109 : memref<200xi32, #tpu.memory_space<hbm>>) target(%arg11 : memref<200xi32, #tpu.memory_space<vmem>>) target_semaphore(%arg30 : memref<!tpu.dma_semaphore, #tpu.memory_space<semaphore_mem>>)
    %dma_start3A_110 = arith.constant 1 : i32
    %dma_start3A_111 = tpu.memref_slice %arg3[%dma_start3A_110, %add3A_104] : memref<2x3200000xi32, #tpu.memory_space<hbm>> -> memref<1x200xi32, #tpu.memory_space<hbm>>
    %dma_start3A_112 = tpu.memref_squeeze %dma_start3A_111 : memref<1x200xi32, #tpu.memory_space<hbm>> -> memref<200xi32, #tpu.memory_space<hbm>>
    %dma_start3A_113 = tpu.memref_slice %arg3[%dma_start3A_110, %add3A_104] : memref<2x3200000xi32, #tpu.memory_space<hbm>> -> memref<1x200xi32, #tpu.memory_space<hbm>>
    %dma_start3A_114 = tpu.memref_squeeze %dma_start3A_113 : memref<1x200xi32, #tpu.memory_space<hbm>> -> memref<200xi32, #tpu.memory_space<hbm>>
    tpu.enqueue_dma source(%dma_start3A_114 : memref<200xi32, #tpu.memory_space<hbm>>) target(%arg16 : memref<200xi32, #tpu.memory_space<vmem>>) target_semaphore(%arg30 : memref<!tpu.dma_semaphore, #tpu.memory_space<semaphore_mem>>)
    %add3A_115 = arith.constant 600 : i32
    %add3A_116 = arith.addi %mul3A_2, %add3A_115 : i32
    %dma_start3A_117 = arith.constant 0 : i32
    %dma_start3A_118 = tpu.memref_slice %arg3[%dma_start3A_117, %add3A_116] : memref<2x3200000xi32, #tpu.memory_space<hbm>> -> memref<1x200xi32, #tpu.memory_space<hbm>>
    %dma_start3A_119 = tpu.memref_squeeze %dma_start3A_118 : memref<1x200xi32, #tpu.memory_space<hbm>> -> memref<200xi32, #tpu.memory_space<hbm>>
    %dma_start3A_120 = tpu.memref_slice %arg3[%dma_start3A_117, %add3A_116] : memref<2x3200000xi32, #tpu.memory_space<hbm>> -> memref<1x200xi32, #tpu.memory_space<hbm>>
    %dma_start3A_121 = tpu.memref_squeeze %dma_start3A_120 : memref<1x200xi32, #tpu.memory_space<hbm>> -> memref<200xi32, #tpu.memory_space<hbm>>
    tpu.enqueue_dma source(%dma_start3A_121 : memref<200xi32, #tpu.memory_space<hbm>>) target(%arg12 : memref<200xi32, #tpu.memory_space<vmem>>) target_semaphore(%arg31 : memref<!tpu.dma_semaphore, #tpu.memory_space<semaphore_mem>>)
    %dma_start3A_122 = arith.constant 1 : i32
    %dma_start3A_123 = tpu.memref_slice %arg3[%dma_start3A_122, %add3A_116] : memref<2x3200000xi32, #tpu.memory_space<hbm>> -> memref<1x200xi32, #tpu.memory_space<hbm>>
    %dma_start3A_124 = tpu.memref_squeeze %dma_start3A_123 : memref<1x200xi32, #tpu.memory_space<hbm>> -> memref<200xi32, #tpu.memory_space<hbm>>
    %dma_start3A_125 = tpu.memref_slice %arg3[%dma_start3A_122, %add3A_116] : memref<2x3200000xi32, #tpu.memory_space<hbm>> -> memref<1x200xi32, #tpu.memory_space<hbm>>
    %dma_start3A_126 = tpu.memref_squeeze %dma_start3A_125 : memref<1x200xi32, #tpu.memory_space<hbm>> -> memref<200xi32, #tpu.memory_space<hbm>>
    tpu.enqueue_dma source(%dma_start3A_126 : memref<200xi32, #tpu.memory_space<hbm>>) target(%arg17 : memref<200xi32, #tpu.memory_space<vmem>>) target_semaphore(%arg31 : memref<!tpu.dma_semaphore, #tpu.memory_space<semaphore_mem>>)
    %add3A_127 = arith.constant 800 : i32
    %add3A_128 = arith.addi %mul3A_2, %add3A_127 : i32
    %dma_start3A_129 = arith.constant 0 : i32
    %dma_start3A_130 = tpu.memref_slice %arg3[%dma_start3A_129, %add3A_128] : memref<2x3200000xi32, #tpu.memory_space<hbm>> -> memref<1x200xi32, #tpu.memory_space<hbm>>
    %dma_start3A_131 = tpu.memref_squeeze %dma_start3A_130 : memref<1x200xi32, #tpu.memory_space<hbm>> -> memref<200xi32, #tpu.memory_space<hbm>>
    %dma_start3A_132 = tpu.memref_slice %arg3[%dma_start3A_129, %add3A_128] : memref<2x3200000xi32, #tpu.memory_space<hbm>> -> memref<1x200xi32, #tpu.memory_space<hbm>>
    %dma_start3A_133 = tpu.memref_squeeze %dma_start3A_132 : memref<1x200xi32, #tpu.memory_space<hbm>> -> memref<200xi32, #tpu.memory_space<hbm>>
    tpu.enqueue_dma source(%dma_start3A_133 : memref<200xi32, #tpu.memory_space<hbm>>) target(%arg13 : memref<200xi32, #tpu.memory_space<vmem>>) target_semaphore(%arg32 : memref<!tpu.dma_semaphore, #tpu.memory_space<semaphore_mem>>)
    %dma_start3A_134 = arith.constant 1 : i32
    %dma_start3A_135 = tpu.memref_slice %arg3[%dma_start3A_134, %add3A_128] : memref<2x3200000xi32, #tpu.memory_space<hbm>> -> memref<1x200xi32, #tpu.memory_space<hbm>>
    %dma_start3A_136 = tpu.memref_squeeze %dma_start3A_135 : memref<1x200xi32, #tpu.memory_space<hbm>> -> memref<200xi32, #tpu.memory_space<hbm>>
    %dma_start3A_137 = tpu.memref_slice %arg3[%dma_start3A_134, %add3A_128] : memref<2x3200000xi32, #tpu.memory_space<hbm>> -> memref<1x200xi32, #tpu.memory_space<hbm>>
    %dma_start3A_138 = tpu.memref_squeeze %dma_start3A_137 : memref<1x200xi32, #tpu.memory_space<hbm>> -> memref<200xi32, #tpu.memory_space<hbm>>
    tpu.enqueue_dma source(%dma_start3A_138 : memref<200xi32, #tpu.memory_space<hbm>>) target(%arg18 : memref<200xi32, #tpu.memory_space<vmem>>) target_semaphore(%arg32 : memref<!tpu.dma_semaphore, #tpu.memory_space<semaphore_mem>>)
    %scan3A = arith.constant 0 : i32
    %scan3A_139 = arith.constant 0 : i32
    %scan3A_140 = arith.constant 100 : i32
    %scan3A_141 = arith.addi %scan3A_139, %scan3A_140 : i32
    %scan3A_142 = arith.constant 1 : i32
    scf.for %scan3A_274 = %scan3A_139 to %scan3A_141 step %scan3A_142  : i32 {
      %mul3A_275 = arith.constant 5 : i32
      %mul3A_276 = arith.muli %scan3A_274, %mul3A_275 : i32
      %dma_wait3A_277 = arith.constant 0 : i32
      %dma_wait3A_278 = arith.constant 0 : i32
      %dma_wait3A_279 = tpu.memref_slice %arg3[%dma_wait3A_277, %dma_wait3A_278] : memref<2x3200000xi32, #tpu.memory_space<hbm>> -> memref<1x200xi32, #tpu.memory_space<hbm>>
      %dma_wait3A_280 = tpu.memref_squeeze %dma_wait3A_279 : memref<1x200xi32, #tpu.memory_space<hbm>> -> memref<200xi32, #tpu.memory_space<hbm>>
      %dma_wait3A_281 = arith.constant 0 : i32
      %dma_wait3A_282 = tpu.memref_slice %arg3[%dma_wait3A_277, %dma_wait3A_281] : memref<2x3200000xi32, #tpu.memory_space<hbm>> -> memref<1x200xi32, #tpu.memory_space<hbm>>
      %dma_wait3A_283 = tpu.memref_squeeze %dma_wait3A_282 : memref<1x200xi32, #tpu.memory_space<hbm>> -> memref<200xi32, #tpu.memory_space<hbm>>
      tpu.wait_dma2 semaphore(%arg28 : memref<!tpu.dma_semaphore, #tpu.memory_space<semaphore_mem>>) src(%dma_wait3A_283 : memref<200xi32, #tpu.memory_space<hbm>>) dst(%arg9 : memref<200xi32, #tpu.memory_space<vmem>>)
      %dma_wait3A_284 = arith.constant 0 : i32
      %dma_wait3A_285 = arith.constant 0 : i32
      %dma_wait3A_286 = tpu.memref_slice %arg3[%dma_wait3A_284, %dma_wait3A_285] : memref<2x3200000xi32, #tpu.memory_space<hbm>> -> memref<1x200xi32, #tpu.memory_space<hbm>>
      %dma_wait3A_287 = tpu.memref_squeeze %dma_wait3A_286 : memref<1x200xi32, #tpu.memory_space<hbm>> -> memref<200xi32, #tpu.memory_space<hbm>>
      %dma_wait3A_288 = arith.constant 0 : i32
      %dma_wait3A_289 = tpu.memref_slice %arg3[%dma_wait3A_284, %dma_wait3A_288] : memref<2x3200000xi32, #tpu.memory_space<hbm>> -> memref<1x200xi32, #tpu.memory_space<hbm>>
      %dma_wait3A_290 = tpu.memref_squeeze %dma_wait3A_289 : memref<1x200xi32, #tpu.memory_space<hbm>> -> memref<200xi32, #tpu.memory_space<hbm>>
      tpu.wait_dma2 semaphore(%arg28 : memref<!tpu.dma_semaphore, #tpu.memory_space<semaphore_mem>>) src(%dma_wait3A_290 : memref<200xi32, #tpu.memory_space<hbm>>) dst(%arg14 : memref<200xi32, #tpu.memory_space<vmem>>)
      %dma_start3A_291 = arith.constant 0 : i32
      %dma_start3A_292 = arith.constant 0 : i32
      %dma_start3A_293 = tpu.memref_slice %arg2[%dma_start3A_291, %dma_start3A_292] : memref<100000x16xf32, #tpu.memory_space<hbm>> -> memref<100000x16xf32, #tpu.memory_space<hbm>>
      tpu.enqueue_indirect_dma source(%dma_start3A_293 : memref<100000x16xf32, #tpu.memory_space<hbm>>) target(%arg19 : memref<200x16xf32, #tpu.memory_space<vmem>>) offsets(%arg9 : memref<200xi32, #tpu.memory_space<vmem>>) semaphore(%arg33 : memref<!tpu.dma_semaphore, #tpu.memory_space<semaphore_mem>>)
      %dma_wait3A_294 = arith.constant 0 : i32
      %dma_wait3A_295 = arith.constant 0 : i32
      %dma_wait3A_296 = tpu.memref_slice %arg3[%dma_wait3A_294, %dma_wait3A_295] : memref<2x3200000xi32, #tpu.memory_space<hbm>> -> memref<1x200xi32, #tpu.memory_space<hbm>>
      %dma_wait3A_297 = tpu.memref_squeeze %dma_wait3A_296 : memref<1x200xi32, #tpu.memory_space<hbm>> -> memref<200xi32, #tpu.memory_space<hbm>>
      %dma_wait3A_298 = arith.constant 0 : i32
      %dma_wait3A_299 = tpu.memref_slice %arg3[%dma_wait3A_294, %dma_wait3A_298] : memref<2x3200000xi32, #tpu.memory_space<hbm>> -> memref<1x200xi32, #tpu.memory_space<hbm>>
      %dma_wait3A_300 = tpu.memref_squeeze %dma_wait3A_299 : memref<1x200xi32, #tpu.memory_space<hbm>> -> memref<200xi32, #tpu.memory_space<hbm>>
      tpu.wait_dma2 semaphore(%arg29 : memref<!tpu.dma_semaphore, #tpu.memory_space<semaphore_mem>>) src(%dma_wait3A_300 : memref<200xi32, #tpu.memory_space<hbm>>) dst(%arg10 : memref<200xi32, #tpu.memory_space<vmem>>)
      %dma_wait3A_301 = arith.constant 0 : i32
      %dma_wait3A_302 = arith.constant 0 : i32
      %dma_wait3A_303 = tpu.memref_slice %arg3[%dma_wait3A_301, %dma_wait3A_302] : memref<2x3200000xi32, #tpu.memory_space<hbm>> -> memref<1x200xi32, #tpu.memory_space<hbm>>
      %dma_wait3A_304 = tpu.memref_squeeze %dma_wait3A_303 : memref<1x200xi32, #tpu.memory_space<hbm>> -> memref<200xi32, #tpu.memory_space<hbm>>
      %dma_wait3A_305 = arith.constant 0 : i32
      %dma_wait3A_306 = tpu.memref_slice %arg3[%dma_wait3A_301, %dma_wait3A_305] : memref<2x3200000xi32, #tpu.memory_space<hbm>> -> memref<1x200xi32, #tpu.memory_space<hbm>>
      %dma_wait3A_307 = tpu.memref_squeeze %dma_wait3A_306 : memref<1x200xi32, #tpu.memory_space<hbm>> -> memref<200xi32, #tpu.memory_space<hbm>>
      tpu.wait_dma2 semaphore(%arg29 : memref<!tpu.dma_semaphore, #tpu.memory_space<semaphore_mem>>) src(%dma_wait3A_307 : memref<200xi32, #tpu.memory_space<hbm>>) dst(%arg15 : memref<200xi32, #tpu.memory_space<vmem>>)
      %dma_start3A_308 = arith.constant 0 : i32
      %dma_start3A_309 = arith.constant 0 : i32
      %dma_start3A_310 = tpu.memref_slice %arg2[%dma_start3A_308, %dma_start3A_309] : memref<100000x16xf32, #tpu.memory_space<hbm>> -> memref<100000x16xf32, #tpu.memory_space<hbm>>
      tpu.enqueue_indirect_dma source(%dma_start3A_310 : memref<100000x16xf32, #tpu.memory_space<hbm>>) target(%arg20 : memref<200x16xf32, #tpu.memory_space<vmem>>) offsets(%arg10 : memref<200xi32, #tpu.memory_space<vmem>>) semaphore(%arg34 : memref<!tpu.dma_semaphore, #tpu.memory_space<semaphore_mem>>)
      %dma_wait3A_311 = arith.constant 0 : i32
      %dma_wait3A_312 = arith.constant 0 : i32
      %dma_wait3A_313 = tpu.memref_slice %arg3[%dma_wait3A_311, %dma_wait3A_312] : memref<2x3200000xi32, #tpu.memory_space<hbm>> -> memref<1x200xi32, #tpu.memory_space<hbm>>
      %dma_wait3A_314 = tpu.memref_squeeze %dma_wait3A_313 : memref<1x200xi32, #tpu.memory_space<hbm>> -> memref<200xi32, #tpu.memory_space<hbm>>
      %dma_wait3A_315 = arith.constant 0 : i32
      %dma_wait3A_316 = tpu.memref_slice %arg3[%dma_wait3A_311, %dma_wait3A_315] : memref<2x3200000xi32, #tpu.memory_space<hbm>> -> memref<1x200xi32, #tpu.memory_space<hbm>>
      %dma_wait3A_317 = tpu.memref_squeeze %dma_wait3A_316 : memref<1x200xi32, #tpu.memory_space<hbm>> -> memref<200xi32, #tpu.memory_space<hbm>>
      tpu.wait_dma2 semaphore(%arg30 : memref<!tpu.dma_semaphore, #tpu.memory_space<semaphore_mem>>) src(%dma_wait3A_317 : memref<200xi32, #tpu.memory_space<hbm>>) dst(%arg11 : memref<200xi32, #tpu.memory_space<vmem>>)
      %dma_wait3A_318 = arith.constant 0 : i32
      %dma_wait3A_319 = arith.constant 0 : i32
      %dma_wait3A_320 = tpu.memref_slice %arg3[%dma_wait3A_318, %dma_wait3A_319] : memref<2x3200000xi32, #tpu.memory_space<hbm>> -> memref<1x200xi32, #tpu.memory_space<hbm>>
      %dma_wait3A_321 = tpu.memref_squeeze %dma_wait3A_320 : memref<1x200xi32, #tpu.memory_space<hbm>> -> memref<200xi32, #tpu.memory_space<hbm>>
      %dma_wait3A_322 = arith.constant 0 : i32
      %dma_wait3A_323 = tpu.memref_slice %arg3[%dma_wait3A_318, %dma_wait3A_322] : memref<2x3200000xi32, #tpu.memory_space<hbm>> -> memref<1x200xi32, #tpu.memory_space<hbm>>
      %dma_wait3A_324 = tpu.memref_squeeze %dma_wait3A_323 : memref<1x200xi32, #tpu.memory_space<hbm>> -> memref<200xi32, #tpu.memory_space<hbm>>
      tpu.wait_dma2 semaphore(%arg30 : memref<!tpu.dma_semaphore, #tpu.memory_space<semaphore_mem>>) src(%dma_wait3A_324 : memref<200xi32, #tpu.memory_space<hbm>>) dst(%arg16 : memref<200xi32, #tpu.memory_space<vmem>>)
      %dma_start3A_325 = arith.constant 0 : i32
      %dma_start3A_326 = arith.constant 0 : i32
      %dma_start3A_327 = tpu.memref_slice %arg2[%dma_start3A_325, %dma_start3A_326] : memref<100000x16xf32, #tpu.memory_space<hbm>> -> memref<100000x16xf32, #tpu.memory_space<hbm>>
      tpu.enqueue_indirect_dma source(%dma_start3A_327 : memref<100000x16xf32, #tpu.memory_space<hbm>>) target(%arg21 : memref<200x16xf32, #tpu.memory_space<vmem>>) offsets(%arg11 : memref<200xi32, #tpu.memory_space<vmem>>) semaphore(%arg35 : memref<!tpu.dma_semaphore, #tpu.memory_space<semaphore_mem>>)
      %dma_wait3A_328 = arith.constant 0 : i32
      %dma_wait3A_329 = arith.constant 0 : i32
      %dma_wait3A_330 = tpu.memref_slice %arg3[%dma_wait3A_328, %dma_wait3A_329] : memref<2x3200000xi32, #tpu.memory_space<hbm>> -> memref<1x200xi32, #tpu.memory_space<hbm>>
      %dma_wait3A_331 = tpu.memref_squeeze %dma_wait3A_330 : memref<1x200xi32, #tpu.memory_space<hbm>> -> memref<200xi32, #tpu.memory_space<hbm>>
      %dma_wait3A_332 = arith.constant 0 : i32
      %dma_wait3A_333 = tpu.memref_slice %arg3[%dma_wait3A_328, %dma_wait3A_332] : memref<2x3200000xi32, #tpu.memory_space<hbm>> -> memref<1x200xi32, #tpu.memory_space<hbm>>
      %dma_wait3A_334 = tpu.memref_squeeze %dma_wait3A_333 : memref<1x200xi32, #tpu.memory_space<hbm>> -> memref<200xi32, #tpu.memory_space<hbm>>
      tpu.wait_dma2 semaphore(%arg31 : memref<!tpu.dma_semaphore, #tpu.memory_space<semaphore_mem>>) src(%dma_wait3A_334 : memref<200xi32, #tpu.memory_space<hbm>>) dst(%arg12 : memref<200xi32, #tpu.memory_space<vmem>>)
      %dma_wait3A_335 = arith.constant 0 : i32
      %dma_wait3A_336 = arith.constant 0 : i32
      %dma_wait3A_337 = tpu.memref_slice %arg3[%dma_wait3A_335, %dma_wait3A_336] : memref<2x3200000xi32, #tpu.memory_space<hbm>> -> memref<1x200xi32, #tpu.memory_space<hbm>>
      %dma_wait3A_338 = tpu.memref_squeeze %dma_wait3A_337 : memref<1x200xi32, #tpu.memory_space<hbm>> -> memref<200xi32, #tpu.memory_space<hbm>>
      %dma_wait3A_339 = arith.constant 0 : i32
      %dma_wait3A_340 = tpu.memref_slice %arg3[%dma_wait3A_335, %dma_wait3A_339] : memref<2x3200000xi32, #tpu.memory_space<hbm>> -> memref<1x200xi32, #tpu.memory_space<hbm>>
      %dma_wait3A_341 = tpu.memref_squeeze %dma_wait3A_340 : memref<1x200xi32, #tpu.memory_space<hbm>> -> memref<200xi32, #tpu.memory_space<hbm>>
      tpu.wait_dma2 semaphore(%arg31 : memref<!tpu.dma_semaphore, #tpu.memory_space<semaphore_mem>>) src(%dma_wait3A_341 : memref<200xi32, #tpu.memory_space<hbm>>) dst(%arg17 : memref<200xi32, #tpu.memory_space<vmem>>)
      %dma_start3A_342 = arith.constant 0 : i32
      %dma_start3A_343 = arith.constant 0 : i32
      %dma_start3A_344 = tpu.memref_slice %arg2[%dma_start3A_342, %dma_start3A_343] : memref<100000x16xf32, #tpu.memory_space<hbm>> -> memref<100000x16xf32, #tpu.memory_space<hbm>>
      tpu.enqueue_indirect_dma source(%dma_start3A_344 : memref<100000x16xf32, #tpu.memory_space<hbm>>) target(%arg22 : memref<200x16xf32, #tpu.memory_space<vmem>>) offsets(%arg12 : memref<200xi32, #tpu.memory_space<vmem>>) semaphore(%arg36 : memref<!tpu.dma_semaphore, #tpu.memory_space<semaphore_mem>>)
      %dma_wait3A_345 = arith.constant 0 : i32
      %dma_wait3A_346 = arith.constant 0 : i32
      %dma_wait3A_347 = tpu.memref_slice %arg3[%dma_wait3A_345, %dma_wait3A_346] : memref<2x3200000xi32, #tpu.memory_space<hbm>> -> memref<1x200xi32, #tpu.memory_space<hbm>>
      %dma_wait3A_348 = tpu.memref_squeeze %dma_wait3A_347 : memref<1x200xi32, #tpu.memory_space<hbm>> -> memref<200xi32, #tpu.memory_space<hbm>>
      %dma_wait3A_349 = arith.constant 0 : i32
      %dma_wait3A_350 = tpu.memref_slice %arg3[%dma_wait3A_345, %dma_wait3A_349] : memref<2x3200000xi32, #tpu.memory_space<hbm>> -> memref<1x200xi32, #tpu.memory_space<hbm>>
      %dma_wait3A_351 = tpu.memref_squeeze %dma_wait3A_350 : memref<1x200xi32, #tpu.memory_space<hbm>> -> memref<200xi32, #tpu.memory_space<hbm>>
      tpu.wait_dma2 semaphore(%arg32 : memref<!tpu.dma_semaphore, #tpu.memory_space<semaphore_mem>>) src(%dma_wait3A_351 : memref<200xi32, #tpu.memory_space<hbm>>) dst(%arg13 : memref<200xi32, #tpu.memory_space<vmem>>)
      %dma_wait3A_352 = arith.constant 0 : i32
      %dma_wait3A_353 = arith.constant 0 : i32
      %dma_wait3A_354 = tpu.memref_slice %arg3[%dma_wait3A_352, %dma_wait3A_353] : memref<2x3200000xi32, #tpu.memory_space<hbm>> -> memref<1x200xi32, #tpu.memory_space<hbm>>
      %dma_wait3A_355 = tpu.memref_squeeze %dma_wait3A_354 : memref<1x200xi32, #tpu.memory_space<hbm>> -> memref<200xi32, #tpu.memory_space<hbm>>
      %dma_wait3A_356 = arith.constant 0 : i32
      %dma_wait3A_357 = tpu.memref_slice %arg3[%dma_wait3A_352, %dma_wait3A_356] : memref<2x3200000xi32, #tpu.memory_space<hbm>> -> memref<1x200xi32, #tpu.memory_space<hbm>>
      %dma_wait3A_358 = tpu.memref_squeeze %dma_wait3A_357 : memref<1x200xi32, #tpu.memory_space<hbm>> -> memref<200xi32, #tpu.memory_space<hbm>>
      tpu.wait_dma2 semaphore(%arg32 : memref<!tpu.dma_semaphore, #tpu.memory_space<semaphore_mem>>) src(%dma_wait3A_358 : memref<200xi32, #tpu.memory_space<hbm>>) dst(%arg18 : memref<200xi32, #tpu.memory_space<vmem>>)
      %dma_start3A_359 = arith.constant 0 : i32
      %dma_start3A_360 = arith.constant 0 : i32
      %dma_start3A_361 = tpu.memref_slice %arg2[%dma_start3A_359, %dma_start3A_360] : memref<100000x16xf32, #tpu.memory_space<hbm>> -> memref<100000x16xf32, #tpu.memory_space<hbm>>
      tpu.enqueue_indirect_dma source(%dma_start3A_361 : memref<100000x16xf32, #tpu.memory_space<hbm>>) target(%arg23 : memref<200x16xf32, #tpu.memory_space<vmem>>) offsets(%arg13 : memref<200xi32, #tpu.memory_space<vmem>>) semaphore(%arg37 : memref<!tpu.dma_semaphore, #tpu.memory_space<semaphore_mem>>)
      %dma_wait3A_362 = arith.constant 0 : i32
      %dma_wait3A_363 = arith.constant 0 : i32
      %dma_wait3A_364 = tpu.memref_slice %arg2[%dma_wait3A_362, %dma_wait3A_363] : memref<100000x16xf32, #tpu.memory_space<hbm>> -> memref<100000x16xf32, #tpu.memory_space<hbm>>
      tpu.wait_indirect_dma semaphore(%arg33 : memref<!tpu.dma_semaphore, #tpu.memory_space<semaphore_mem>>) src(%dma_wait3A_364 : memref<100000x16xf32, #tpu.memory_space<hbm>>) dst(%arg19 : memref<200x16xf32, #tpu.memory_space<vmem>>)
      %dma_start3A_365 = arith.constant 0 : i32
      %dma_start3A_366 = arith.constant 0 : i32
      %dma_start3A_367 = tpu.memref_slice %arg26[%dma_start3A_365, %dma_start3A_366] : memref<100352x16xf32, #tpu.memory_space<vmem_shared>> -> memref<100352x16xf32, #tpu.memory_space<vmem_shared>>
      tpu.enqueue_indirect_dma source(%arg19 : memref<200x16xf32, #tpu.memory_space<vmem>>) target(%dma_start3A_367 : memref<100352x16xf32, #tpu.memory_space<vmem_shared>>) offsets(%arg14 : memref<200xi32, #tpu.memory_space<vmem>>) semaphore(%arg38 : memref<!tpu.dma_semaphore, #tpu.memory_space<semaphore_mem>>) {add = true}
      %dma_start3A_368 = arith.constant 0 : i32
      %dma_start3A_369 = tpu.memref_slice %arg27[%dma_start3A_368] : memref<100352xf32, #tpu.memory_space<vmem_shared>> -> memref<100352xf32, #tpu.memory_space<vmem_shared>>
      tpu.enqueue_indirect_dma source(%arg24 : memref<200xf32, #tpu.memory_space<vmem>>) target(%dma_start3A_369 : memref<100352xf32, #tpu.memory_space<vmem_shared>>) offsets(%arg14 : memref<200xi32, #tpu.memory_space<vmem>>) semaphore(%arg38 : memref<!tpu.dma_semaphore, #tpu.memory_space<semaphore_mem>>) {add = true}
      %dma_wait3A_370 = arith.constant 0 : i32
      %dma_wait3A_371 = arith.constant 0 : i32
      %dma_wait3A_372 = tpu.memref_slice %arg2[%dma_wait3A_370, %dma_wait3A_371] : memref<100000x16xf32, #tpu.memory_space<hbm>> -> memref<100000x16xf32, #tpu.memory_space<hbm>>
      tpu.wait_indirect_dma semaphore(%arg34 : memref<!tpu.dma_semaphore, #tpu.memory_space<semaphore_mem>>) src(%dma_wait3A_372 : memref<100000x16xf32, #tpu.memory_space<hbm>>) dst(%arg20 : memref<200x16xf32, #tpu.memory_space<vmem>>)
      %dma_start3A_373 = arith.constant 0 : i32
      %dma_start3A_374 = arith.constant 0 : i32
      %dma_start3A_375 = tpu.memref_slice %arg26[%dma_start3A_373, %dma_start3A_374] : memref<100352x16xf32, #tpu.memory_space<vmem_shared>> -> memref<100352x16xf32, #tpu.memory_space<vmem_shared>>
      tpu.enqueue_indirect_dma source(%arg20 : memref<200x16xf32, #tpu.memory_space<vmem>>) target(%dma_start3A_375 : memref<100352x16xf32, #tpu.memory_space<vmem_shared>>) offsets(%arg15 : memref<200xi32, #tpu.memory_space<vmem>>) semaphore(%arg39 : memref<!tpu.dma_semaphore, #tpu.memory_space<semaphore_mem>>) {add = true}
      %dma_start3A_376 = arith.constant 0 : i32
      %dma_start3A_377 = tpu.memref_slice %arg27[%dma_start3A_376] : memref<100352xf32, #tpu.memory_space<vmem_shared>> -> memref<100352xf32, #tpu.memory_space<vmem_shared>>
      tpu.enqueue_indirect_dma source(%arg24 : memref<200xf32, #tpu.memory_space<vmem>>) target(%dma_start3A_377 : memref<100352xf32, #tpu.memory_space<vmem_shared>>) offsets(%arg15 : memref<200xi32, #tpu.memory_space<vmem>>) semaphore(%arg39 : memref<!tpu.dma_semaphore, #tpu.memory_space<semaphore_mem>>) {add = true}
      %dma_wait3A_378 = arith.constant 0 : i32
      %dma_wait3A_379 = arith.constant 0 : i32
      %dma_wait3A_380 = tpu.memref_slice %arg2[%dma_wait3A_378, %dma_wait3A_379] : memref<100000x16xf32, #tpu.memory_space<hbm>> -> memref<100000x16xf32, #tpu.memory_space<hbm>>
      tpu.wait_indirect_dma semaphore(%arg35 : memref<!tpu.dma_semaphore, #tpu.memory_space<semaphore_mem>>) src(%dma_wait3A_380 : memref<100000x16xf32, #tpu.memory_space<hbm>>) dst(%arg21 : memref<200x16xf32, #tpu.memory_space<vmem>>)
      %dma_start3A_381 = arith.constant 0 : i32
      %dma_start3A_382 = arith.constant 0 : i32
      %dma_start3A_383 = tpu.memref_slice %arg26[%dma_start3A_381, %dma_start3A_382] : memref<100352x16xf32, #tpu.memory_space<vmem_shared>> -> memref<100352x16xf32, #tpu.memory_space<vmem_shared>>
      tpu.enqueue_indirect_dma source(%arg21 : memref<200x16xf32, #tpu.memory_space<vmem>>) target(%dma_start3A_383 : memref<100352x16xf32, #tpu.memory_space<vmem_shared>>) offsets(%arg16 : memref<200xi32, #tpu.memory_space<vmem>>) semaphore(%arg40 : memref<!tpu.dma_semaphore, #tpu.memory_space<semaphore_mem>>) {add = true}
      %dma_start3A_384 = arith.constant 0 : i32
      %dma_start3A_385 = tpu.memref_slice %arg27[%dma_start3A_384] : memref<100352xf32, #tpu.memory_space<vmem_shared>> -> memref<100352xf32, #tpu.memory_space<vmem_shared>>
      tpu.enqueue_indirect_dma source(%arg24 : memref<200xf32, #tpu.memory_space<vmem>>) target(%dma_start3A_385 : memref<100352xf32, #tpu.memory_space<vmem_shared>>) offsets(%arg16 : memref<200xi32, #tpu.memory_space<vmem>>) semaphore(%arg40 : memref<!tpu.dma_semaphore, #tpu.memory_space<semaphore_mem>>) {add = true}
      %dma_wait3A_386 = arith.constant 0 : i32
      %dma_wait3A_387 = arith.constant 0 : i32
      %dma_wait3A_388 = tpu.memref_slice %arg2[%dma_wait3A_386, %dma_wait3A_387] : memref<100000x16xf32, #tpu.memory_space<hbm>> -> memref<100000x16xf32, #tpu.memory_space<hbm>>
      tpu.wait_indirect_dma semaphore(%arg36 : memref<!tpu.dma_semaphore, #tpu.memory_space<semaphore_mem>>) src(%dma_wait3A_388 : memref<100000x16xf32, #tpu.memory_space<hbm>>) dst(%arg22 : memref<200x16xf32, #tpu.memory_space<vmem>>)
      %dma_start3A_389 = arith.constant 0 : i32
      %dma_start3A_390 = arith.constant 0 : i32
      %dma_start3A_391 = tpu.memref_slice %arg26[%dma_start3A_389, %dma_start3A_390] : memref<100352x16xf32, #tpu.memory_space<vmem_shared>> -> memref<100352x16xf32, #tpu.memory_space<vmem_shared>>
      tpu.enqueue_indirect_dma source(%arg22 : memref<200x16xf32, #tpu.memory_space<vmem>>) target(%dma_start3A_391 : memref<100352x16xf32, #tpu.memory_space<vmem_shared>>) offsets(%arg17 : memref<200xi32, #tpu.memory_space<vmem>>) semaphore(%arg41 : memref<!tpu.dma_semaphore, #tpu.memory_space<semaphore_mem>>) {add = true}
      %dma_start3A_392 = arith.constant 0 : i32
      %dma_start3A_393 = tpu.memref_slice %arg27[%dma_start3A_392] : memref<100352xf32, #tpu.memory_space<vmem_shared>> -> memref<100352xf32, #tpu.memory_space<vmem_shared>>
      tpu.enqueue_indirect_dma source(%arg24 : memref<200xf32, #tpu.memory_space<vmem>>) target(%dma_start3A_393 : memref<100352xf32, #tpu.memory_space<vmem_shared>>) offsets(%arg17 : memref<200xi32, #tpu.memory_space<vmem>>) semaphore(%arg41 : memref<!tpu.dma_semaphore, #tpu.memory_space<semaphore_mem>>) {add = true}
      %dma_wait3A_394 = arith.constant 0 : i32
      %dma_wait3A_395 = arith.constant 0 : i32
      %dma_wait3A_396 = tpu.memref_slice %arg2[%dma_wait3A_394, %dma_wait3A_395] : memref<100000x16xf32, #tpu.memory_space<hbm>> -> memref<100000x16xf32, #tpu.memory_space<hbm>>
      tpu.wait_indirect_dma semaphore(%arg37 : memref<!tpu.dma_semaphore, #tpu.memory_space<semaphore_mem>>) src(%dma_wait3A_396 : memref<100000x16xf32, #tpu.memory_space<hbm>>) dst(%arg23 : memref<200x16xf32, #tpu.memory_space<vmem>>)
      %dma_start3A_397 = arith.constant 0 : i32
      %dma_start3A_398 = arith.constant 0 : i32
      %dma_start3A_399 = tpu.memref_slice %arg26[%dma_start3A_397, %dma_start3A_398] : memref<100352x16xf32, #tpu.memory_space<vmem_shared>> -> memref<100352x16xf32, #tpu.memory_space<vmem_shared>>
      tpu.enqueue_indirect_dma source(%arg23 : memref<200x16xf32, #tpu.memory_space<vmem>>) target(%dma_start3A_399 : memref<100352x16xf32, #tpu.memory_space<vmem_shared>>) offsets(%arg18 : memref<200xi32, #tpu.memory_space<vmem>>) semaphore(%arg42 : memref<!tpu.dma_semaphore, #tpu.memory_space<semaphore_mem>>) {add = true}
      %dma_start3A_400 = arith.constant 0 : i32
      %dma_start3A_401 = tpu.memref_slice %arg27[%dma_start3A_400] : memref<100352xf32, #tpu.memory_space<vmem_shared>> -> memref<100352xf32, #tpu.memory_space<vmem_shared>>
      tpu.enqueue_indirect_dma source(%arg24 : memref<200xf32, #tpu.memory_space<vmem>>) target(%dma_start3A_401 : memref<100352xf32, #tpu.memory_space<vmem_shared>>) offsets(%arg18 : memref<200xi32, #tpu.memory_space<vmem>>) semaphore(%arg42 : memref<!tpu.dma_semaphore, #tpu.memory_space<semaphore_mem>>) {add = true}
      %dma_wait3A_402 = arith.constant 0 : i32
      %dma_wait3A_403 = arith.constant 0 : i32
      %dma_wait3A_404 = tpu.memref_slice %arg26[%dma_wait3A_402, %dma_wait3A_403] : memref<100352x16xf32, #tpu.memory_space<vmem_shared>> -> memref<100352x16xf32, #tpu.memory_space<vmem_shared>>
      tpu.wait_indirect_dma semaphore(%arg38 : memref<!tpu.dma_semaphore, #tpu.memory_space<semaphore_mem>>) src(%arg19 : memref<200x16xf32, #tpu.memory_space<vmem>>) dst(%dma_wait3A_404 : memref<100352x16xf32, #tpu.memory_space<vmem_shared>>)
      %dma_wait3A_405 = arith.constant 0 : i32
      %dma_wait3A_406 = tpu.memref_slice %arg27[%dma_wait3A_405] : memref<100352xf32, #tpu.memory_space<vmem_shared>> -> memref<100352xf32, #tpu.memory_space<vmem_shared>>
      tpu.wait_indirect_dma semaphore(%arg38 : memref<!tpu.dma_semaphore, #tpu.memory_space<semaphore_mem>>) src(%arg24 : memref<200xf32, #tpu.memory_space<vmem>>) dst(%dma_wait3A_406 : memref<100352xf32, #tpu.memory_space<vmem_shared>>)
      %add3A_407 = arith.constant 5 : i32
      %add3A_408 = arith.addi %mul3A_276, %add3A_407 : i32
      %add3A_409 = arith.constant 0 : i32
      %add3A_410 = arith.addi %add3A_408, %add3A_409 : i32
      %min3A = arith.constant 499 : i32
      %min3A_411 = arith.minsi %add3A_410, %min3A : i32
      %mul3A_412 = arith.constant 200 : i32
      %mul3A_413 = arith.muli %min3A_411, %mul3A_412 : i32
      %add3A_414 = arith.addi %mul3A_2, %mul3A_413 : i32
      %dma_start3A_415 = arith.constant 0 : i32
      %dma_start3A_416 = tpu.memref_slice %arg3[%dma_start3A_415, %add3A_414] : memref<2x3200000xi32, #tpu.memory_space<hbm>> -> memref<1x200xi32, #tpu.memory_space<hbm>>
      %dma_start3A_417 = tpu.memref_squeeze %dma_start3A_416 : memref<1x200xi32, #tpu.memory_space<hbm>> -> memref<200xi32, #tpu.memory_space<hbm>>
      %dma_start3A_418 = tpu.memref_slice %arg3[%dma_start3A_415, %add3A_414] : memref<2x3200000xi32, #tpu.memory_space<hbm>> -> memref<1x200xi32, #tpu.memory_space<hbm>>
      %dma_start3A_419 = tpu.memref_squeeze %dma_start3A_418 : memref<1x200xi32, #tpu.memory_space<hbm>> -> memref<200xi32, #tpu.memory_space<hbm>>
      tpu.enqueue_dma source(%dma_start3A_419 : memref<200xi32, #tpu.memory_space<hbm>>) target(%arg9 : memref<200xi32, #tpu.memory_space<vmem>>) target_semaphore(%arg28 : memref<!tpu.dma_semaphore, #tpu.memory_space<semaphore_mem>>)
      %dma_start3A_420 = arith.constant 1 : i32
      %dma_start3A_421 = tpu.memref_slice %arg3[%dma_start3A_420, %add3A_414] : memref<2x3200000xi32, #tpu.memory_space<hbm>> -> memref<1x200xi32, #tpu.memory_space<hbm>>
      %dma_start3A_422 = tpu.memref_squeeze %dma_start3A_421 : memref<1x200xi32, #tpu.memory_space<hbm>> -> memref<200xi32, #tpu.memory_space<hbm>>
      %dma_start3A_423 = tpu.memref_slice %arg3[%dma_start3A_420, %add3A_414] : memref<2x3200000xi32, #tpu.memory_space<hbm>> -> memref<1x200xi32, #tpu.memory_space<hbm>>
      %dma_start3A_424 = tpu.memref_squeeze %dma_start3A_423 : memref<1x200xi32, #tpu.memory_space<hbm>> -> memref<200xi32, #tpu.memory_space<hbm>>
      tpu.enqueue_dma source(%dma_start3A_424 : memref<200xi32, #tpu.memory_space<hbm>>) target(%arg14 : memref<200xi32, #tpu.memory_space<vmem>>) target_semaphore(%arg28 : memref<!tpu.dma_semaphore, #tpu.memory_space<semaphore_mem>>)
      %dma_wait3A_425 = arith.constant 0 : i32
      %dma_wait3A_426 = arith.constant 0 : i32
      %dma_wait3A_427 = tpu.memref_slice %arg26[%dma_wait3A_425, %dma_wait3A_426] : memref<100352x16xf32, #tpu.memory_space<vmem_shared>> -> memref<100352x16xf32, #tpu.memory_space<vmem_shared>>
      tpu.wait_indirect_dma semaphore(%arg39 : memref<!tpu.dma_semaphore, #tpu.memory_space<semaphore_mem>>) src(%arg20 : memref<200x16xf32, #tpu.memory_space<vmem>>) dst(%dma_wait3A_427 : memref<100352x16xf32, #tpu.memory_space<vmem_shared>>)
      %dma_wait3A_428 = arith.constant 0 : i32
      %dma_wait3A_429 = tpu.memref_slice %arg27[%dma_wait3A_428] : memref<100352xf32, #tpu.memory_space<vmem_shared>> -> memref<100352xf32, #tpu.memory_space<vmem_shared>>
      tpu.wait_indirect_dma semaphore(%arg39 : memref<!tpu.dma_semaphore, #tpu.memory_space<semaphore_mem>>) src(%arg24 : memref<200xf32, #tpu.memory_space<vmem>>) dst(%dma_wait3A_429 : memref<100352xf32, #tpu.memory_space<vmem_shared>>)
      %add3A_430 = arith.constant 5 : i32
      %add3A_431 = arith.addi %mul3A_276, %add3A_430 : i32
      %add3A_432 = arith.constant 1 : i32
      %add3A_433 = arith.addi %add3A_431, %add3A_432 : i32
      %min3A_434 = arith.constant 499 : i32
      %min3A_435 = arith.minsi %add3A_433, %min3A_434 : i32
      %mul3A_436 = arith.constant 200 : i32
      %mul3A_437 = arith.muli %min3A_435, %mul3A_436 : i32
      %add3A_438 = arith.addi %mul3A_2, %mul3A_437 : i32
      %dma_start3A_439 = arith.constant 0 : i32
      %dma_start3A_440 = tpu.memref_slice %arg3[%dma_start3A_439, %add3A_438] : memref<2x3200000xi32, #tpu.memory_space<hbm>> -> memref<1x200xi32, #tpu.memory_space<hbm>>
      %dma_start3A_441 = tpu.memref_squeeze %dma_start3A_440 : memref<1x200xi32, #tpu.memory_space<hbm>> -> memref<200xi32, #tpu.memory_space<hbm>>
      %dma_start3A_442 = tpu.memref_slice %arg3[%dma_start3A_439, %add3A_438] : memref<2x3200000xi32, #tpu.memory_space<hbm>> -> memref<1x200xi32, #tpu.memory_space<hbm>>
      %dma_start3A_443 = tpu.memref_squeeze %dma_start3A_442 : memref<1x200xi32, #tpu.memory_space<hbm>> -> memref<200xi32, #tpu.memory_space<hbm>>
      tpu.enqueue_dma source(%dma_start3A_443 : memref<200xi32, #tpu.memory_space<hbm>>) target(%arg10 : memref<200xi32, #tpu.memory_space<vmem>>) target_semaphore(%arg29 : memref<!tpu.dma_semaphore, #tpu.memory_space<semaphore_mem>>)
      %dma_start3A_444 = arith.constant 1 : i32
      %dma_start3A_445 = tpu.memref_slice %arg3[%dma_start3A_444, %add3A_438] : memref<2x3200000xi32, #tpu.memory_space<hbm>> -> memref<1x200xi32, #tpu.memory_space<hbm>>
      %dma_start3A_446 = tpu.memref_squeeze %dma_start3A_445 : memref<1x200xi32, #tpu.memory_space<hbm>> -> memref<200xi32, #tpu.memory_space<hbm>>
      %dma_start3A_447 = tpu.memref_slice %arg3[%dma_start3A_444, %add3A_438] : memref<2x3200000xi32, #tpu.memory_space<hbm>> -> memref<1x200xi32, #tpu.memory_space<hbm>>
      %dma_start3A_448 = tpu.memref_squeeze %dma_start3A_447 : memref<1x200xi32, #tpu.memory_space<hbm>> -> memref<200xi32, #tpu.memory_space<hbm>>
      tpu.enqueue_dma source(%dma_start3A_448 : memref<200xi32, #tpu.memory_space<hbm>>) target(%arg15 : memref<200xi32, #tpu.memory_space<vmem>>) target_semaphore(%arg29 : memref<!tpu.dma_semaphore, #tpu.memory_space<semaphore_mem>>)
      %dma_wait3A_449 = arith.constant 0 : i32
      %dma_wait3A_450 = arith.constant 0 : i32
      %dma_wait3A_451 = tpu.memref_slice %arg26[%dma_wait3A_449, %dma_wait3A_450] : memref<100352x16xf32, #tpu.memory_space<vmem_shared>> -> memref<100352x16xf32, #tpu.memory_space<vmem_shared>>
      tpu.wait_indirect_dma semaphore(%arg40 : memref<!tpu.dma_semaphore, #tpu.memory_space<semaphore_mem>>) src(%arg21 : memref<200x16xf32, #tpu.memory_space<vmem>>) dst(%dma_wait3A_451 : memref<100352x16xf32, #tpu.memory_space<vmem_shared>>)
      %dma_wait3A_452 = arith.constant 0 : i32
      %dma_wait3A_453 = tpu.memref_slice %arg27[%dma_wait3A_452] : memref<100352xf32, #tpu.memory_space<vmem_shared>> -> memref<100352xf32, #tpu.memory_space<vmem_shared>>
      tpu.wait_indirect_dma semaphore(%arg40 : memref<!tpu.dma_semaphore, #tpu.memory_space<semaphore_mem>>) src(%arg24 : memref<200xf32, #tpu.memory_space<vmem>>) dst(%dma_wait3A_453 : memref<100352xf32, #tpu.memory_space<vmem_shared>>)
      %add3A_454 = arith.constant 5 : i32
      %add3A_455 = arith.addi %mul3A_276, %add3A_454 : i32
      %add3A_456 = arith.constant 2 : i32
      %add3A_457 = arith.addi %add3A_455, %add3A_456 : i32
      %min3A_458 = arith.constant 499 : i32
      %min3A_459 = arith.minsi %add3A_457, %min3A_458 : i32
      %mul3A_460 = arith.constant 200 : i32
      %mul3A_461 = arith.muli %min3A_459, %mul3A_460 : i32
      %add3A_462 = arith.addi %mul3A_2, %mul3A_461 : i32
      %dma_start3A_463 = arith.constant 0 : i32
      %dma_start3A_464 = tpu.memref_slice %arg3[%dma_start3A_463, %add3A_462] : memref<2x3200000xi32, #tpu.memory_space<hbm>> -> memref<1x200xi32, #tpu.memory_space<hbm>>
      %dma_start3A_465 = tpu.memref_squeeze %dma_start3A_464 : memref<1x200xi32, #tpu.memory_space<hbm>> -> memref<200xi32, #tpu.memory_space<hbm>>
      %dma_start3A_466 = tpu.memref_slice %arg3[%dma_start3A_463, %add3A_462] : memref<2x3200000xi32, #tpu.memory_space<hbm>> -> memref<1x200xi32, #tpu.memory_space<hbm>>
      %dma_start3A_467 = tpu.memref_squeeze %dma_start3A_466 : memref<1x200xi32, #tpu.memory_space<hbm>> -> memref<200xi32, #tpu.memory_space<hbm>>
      tpu.enqueue_dma source(%dma_start3A_467 : memref<200xi32, #tpu.memory_space<hbm>>) target(%arg11 : memref<200xi32, #tpu.memory_space<vmem>>) target_semaphore(%arg30 : memref<!tpu.dma_semaphore, #tpu.memory_space<semaphore_mem>>)
      %dma_start3A_468 = arith.constant 1 : i32
      %dma_start3A_469 = tpu.memref_slice %arg3[%dma_start3A_468, %add3A_462] : memref<2x3200000xi32, #tpu.memory_space<hbm>> -> memref<1x200xi32, #tpu.memory_space<hbm>>
      %dma_start3A_470 = tpu.memref_squeeze %dma_start3A_469 : memref<1x200xi32, #tpu.memory_space<hbm>> -> memref<200xi32, #tpu.memory_space<hbm>>
      %dma_start3A_471 = tpu.memref_slice %arg3[%dma_start3A_468, %add3A_462] : memref<2x3200000xi32, #tpu.memory_space<hbm>> -> memref<1x200xi32, #tpu.memory_space<hbm>>
      %dma_start3A_472 = tpu.memref_squeeze %dma_start3A_471 : memref<1x200xi32, #tpu.memory_space<hbm>> -> memref<200xi32, #tpu.memory_space<hbm>>
      tpu.enqueue_dma source(%dma_start3A_472 : memref<200xi32, #tpu.memory_space<hbm>>) target(%arg16 : memref<200xi32, #tpu.memory_space<vmem>>) target_semaphore(%arg30 : memref<!tpu.dma_semaphore, #tpu.memory_space<semaphore_mem>>)
      %dma_wait3A_473 = arith.constant 0 : i32
      %dma_wait3A_474 = arith.constant 0 : i32
      %dma_wait3A_475 = tpu.memref_slice %arg26[%dma_wait3A_473, %dma_wait3A_474] : memref<100352x16xf32, #tpu.memory_space<vmem_shared>> -> memref<100352x16xf32, #tpu.memory_space<vmem_shared>>
      tpu.wait_indirect_dma semaphore(%arg41 : memref<!tpu.dma_semaphore, #tpu.memory_space<semaphore_mem>>) src(%arg22 : memref<200x16xf32, #tpu.memory_space<vmem>>) dst(%dma_wait3A_475 : memref<100352x16xf32, #tpu.memory_space<vmem_shared>>)
      %dma_wait3A_476 = arith.constant 0 : i32
      %dma_wait3A_477 = tpu.memref_slice %arg27[%dma_wait3A_476] : memref<100352xf32, #tpu.memory_space<vmem_shared>> -> memref<100352xf32, #tpu.memory_space<vmem_shared>>
      tpu.wait_indirect_dma semaphore(%arg41 : memref<!tpu.dma_semaphore, #tpu.memory_space<semaphore_mem>>) src(%arg24 : memref<200xf32, #tpu.memory_space<vmem>>) dst(%dma_wait3A_477 : memref<100352xf32, #tpu.memory_space<vmem_shared>>)
      %add3A_478 = arith.constant 5 : i32
      %add3A_479 = arith.addi %mul3A_276, %add3A_478 : i32
      %add3A_480 = arith.constant 3 : i32
      %add3A_481 = arith.addi %add3A_479, %add3A_480 : i32
      %min3A_482 = arith.constant 499 : i32
      %min3A_483 = arith.minsi %add3A_481, %min3A_482 : i32
      %mul3A_484 = arith.constant 200 : i32
      %mul3A_485 = arith.muli %min3A_483, %mul3A_484 : i32
      %add3A_486 = arith.addi %mul3A_2, %mul3A_485 : i32
      %dma_start3A_487 = arith.constant 0 : i32
      %dma_start3A_488 = tpu.memref_slice %arg3[%dma_start3A_487, %add3A_486] : memref<2x3200000xi32, #tpu.memory_space<hbm>> -> memref<1x200xi32, #tpu.memory_space<hbm>>
      %dma_start3A_489 = tpu.memref_squeeze %dma_start3A_488 : memref<1x200xi32, #tpu.memory_space<hbm>> -> memref<200xi32, #tpu.memory_space<hbm>>
      %dma_start3A_490 = tpu.memref_slice %arg3[%dma_start3A_487, %add3A_486] : memref<2x3200000xi32, #tpu.memory_space<hbm>> -> memref<1x200xi32, #tpu.memory_space<hbm>>
      %dma_start3A_491 = tpu.memref_squeeze %dma_start3A_490 : memref<1x200xi32, #tpu.memory_space<hbm>> -> memref<200xi32, #tpu.memory_space<hbm>>
      tpu.enqueue_dma source(%dma_start3A_491 : memref<200xi32, #tpu.memory_space<hbm>>) target(%arg12 : memref<200xi32, #tpu.memory_space<vmem>>) target_semaphore(%arg31 : memref<!tpu.dma_semaphore, #tpu.memory_space<semaphore_mem>>)
      %dma_start3A_492 = arith.constant 1 : i32
      %dma_start3A_493 = tpu.memref_slice %arg3[%dma_start3A_492, %add3A_486] : memref<2x3200000xi32, #tpu.memory_space<hbm>> -> memref<1x200xi32, #tpu.memory_space<hbm>>
      %dma_start3A_494 = tpu.memref_squeeze %dma_start3A_493 : memref<1x200xi32, #tpu.memory_space<hbm>> -> memref<200xi32, #tpu.memory_space<hbm>>
      %dma_start3A_495 = tpu.memref_slice %arg3[%dma_start3A_492, %add3A_486] : memref<2x3200000xi32, #tpu.memory_space<hbm>> -> memref<1x200xi32, #tpu.memory_space<hbm>>
      %dma_start3A_496 = tpu.memref_squeeze %dma_start3A_495 : memref<1x200xi32, #tpu.memory_space<hbm>> -> memref<200xi32, #tpu.memory_space<hbm>>
      tpu.enqueue_dma source(%dma_start3A_496 : memref<200xi32, #tpu.memory_space<hbm>>) target(%arg17 : memref<200xi32, #tpu.memory_space<vmem>>) target_semaphore(%arg31 : memref<!tpu.dma_semaphore, #tpu.memory_space<semaphore_mem>>)
      %dma_wait3A_497 = arith.constant 0 : i32
      %dma_wait3A_498 = arith.constant 0 : i32
      %dma_wait3A_499 = tpu.memref_slice %arg26[%dma_wait3A_497, %dma_wait3A_498] : memref<100352x16xf32, #tpu.memory_space<vmem_shared>> -> memref<100352x16xf32, #tpu.memory_space<vmem_shared>>
      tpu.wait_indirect_dma semaphore(%arg42 : memref<!tpu.dma_semaphore, #tpu.memory_space<semaphore_mem>>) src(%arg23 : memref<200x16xf32, #tpu.memory_space<vmem>>) dst(%dma_wait3A_499 : memref<100352x16xf32, #tpu.memory_space<vmem_shared>>)
      %dma_wait3A_500 = arith.constant 0 : i32
      %dma_wait3A_501 = tpu.memref_slice %arg27[%dma_wait3A_500] : memref<100352xf32, #tpu.memory_space<vmem_shared>> -> memref<100352xf32, #tpu.memory_space<vmem_shared>>
      tpu.wait_indirect_dma semaphore(%arg42 : memref<!tpu.dma_semaphore, #tpu.memory_space<semaphore_mem>>) src(%arg24 : memref<200xf32, #tpu.memory_space<vmem>>) dst(%dma_wait3A_501 : memref<100352xf32, #tpu.memory_space<vmem_shared>>)
      %add3A_502 = arith.constant 5 : i32
      %add3A_503 = arith.addi %mul3A_276, %add3A_502 : i32
      %add3A_504 = arith.constant 4 : i32
      %add3A_505 = arith.addi %add3A_503, %add3A_504 : i32
      %min3A_506 = arith.constant 499 : i32
      %min3A_507 = arith.minsi %add3A_505, %min3A_506 : i32
      %mul3A_508 = arith.constant 200 : i32
      %mul3A_509 = arith.muli %min3A_507, %mul3A_508 : i32
      %add3A_510 = arith.addi %mul3A_2, %mul3A_509 : i32
      %dma_start3A_511 = arith.constant 0 : i32
      %dma_start3A_512 = tpu.memref_slice %arg3[%dma_start3A_511, %add3A_510] : memref<2x3200000xi32, #tpu.memory_space<hbm>> -> memref<1x200xi32, #tpu.memory_space<hbm>>
      %dma_start3A_513 = tpu.memref_squeeze %dma_start3A_512 : memref<1x200xi32, #tpu.memory_space<hbm>> -> memref<200xi32, #tpu.memory_space<hbm>>
      %dma_start3A_514 = tpu.memref_slice %arg3[%dma_start3A_511, %add3A_510] : memref<2x3200000xi32, #tpu.memory_space<hbm>> -> memref<1x200xi32, #tpu.memory_space<hbm>>
      %dma_start3A_515 = tpu.memref_squeeze %dma_start3A_514 : memref<1x200xi32, #tpu.memory_space<hbm>> -> memref<200xi32, #tpu.memory_space<hbm>>
      tpu.enqueue_dma source(%dma_start3A_515 : memref<200xi32, #tpu.memory_space<hbm>>) target(%arg13 : memref<200xi32, #tpu.memory_space<vmem>>) target_semaphore(%arg32 : memref<!tpu.dma_semaphore, #tpu.memory_space<semaphore_mem>>)
      %dma_start3A_516 = arith.constant 1 : i32
      %dma_start3A_517 = tpu.memref_slice %arg3[%dma_start3A_516, %add3A_510] : memref<2x3200000xi32, #tpu.memory_space<hbm>> -> memref<1x200xi32, #tpu.memory_space<hbm>>
      %dma_start3A_518 = tpu.memref_squeeze %dma_start3A_517 : memref<1x200xi32, #tpu.memory_space<hbm>> -> memref<200xi32, #tpu.memory_space<hbm>>
      %dma_start3A_519 = tpu.memref_slice %arg3[%dma_start3A_516, %add3A_510] : memref<2x3200000xi32, #tpu.memory_space<hbm>> -> memref<1x200xi32, #tpu.memory_space<hbm>>
      %dma_start3A_520 = tpu.memref_squeeze %dma_start3A_519 : memref<1x200xi32, #tpu.memory_space<hbm>> -> memref<200xi32, #tpu.memory_space<hbm>>
      tpu.enqueue_dma source(%dma_start3A_520 : memref<200xi32, #tpu.memory_space<hbm>>) target(%arg18 : memref<200xi32, #tpu.memory_space<vmem>>) target_semaphore(%arg32 : memref<!tpu.dma_semaphore, #tpu.memory_space<semaphore_mem>>)
    }
    %scan3A_143 = arith.constant 100 : i32
    %dma_wait3A_144 = arith.constant 0 : i32
    %dma_wait3A_145 = arith.constant 0 : i32
    %dma_wait3A_146 = tpu.memref_slice %arg3[%dma_wait3A_144, %dma_wait3A_145] : memref<2x3200000xi32, #tpu.memory_space<hbm>> -> memref<1x200xi32, #tpu.memory_space<hbm>>
    %dma_wait3A_147 = tpu.memref_squeeze %dma_wait3A_146 : memref<1x200xi32, #tpu.memory_space<hbm>> -> memref<200xi32, #tpu.memory_space<hbm>>
    %dma_wait3A_148 = arith.constant 0 : i32
    %dma_wait3A_149 = tpu.memref_slice %arg3[%dma_wait3A_144, %dma_wait3A_148] : memref<2x3200000xi32, #tpu.memory_space<hbm>> -> memref<1x200xi32, #tpu.memory_space<hbm>>
    %dma_wait3A_150 = tpu.memref_squeeze %dma_wait3A_149 : memref<1x200xi32, #tpu.memory_space<hbm>> -> memref<200xi32, #tpu.memory_space<hbm>>
    tpu.wait_dma2 semaphore(%arg28 : memref<!tpu.dma_semaphore, #tpu.memory_space<semaphore_mem>>) src(%dma_wait3A_150 : memref<200xi32, #tpu.memory_space<hbm>>) dst(%arg9 : memref<200xi32, #tpu.memory_space<vmem>>)
    %dma_wait3A_151 = arith.constant 0 : i32
    %dma_wait3A_152 = arith.constant 0 : i32
    %dma_wait3A_153 = tpu.memref_slice %arg3[%dma_wait3A_151, %dma_wait3A_152] : memref<2x3200000xi32, #tpu.memory_space<hbm>> -> memref<1x200xi32, #tpu.memory_space<hbm>>
    %dma_wait3A_154 = tpu.memref_squeeze %dma_wait3A_153 : memref<1x200xi32, #tpu.memory_space<hbm>> -> memref<200xi32, #tpu.memory_space<hbm>>
    %dma_wait3A_155 = arith.constant 0 : i32
    %dma_wait3A_156 = tpu.memref_slice %arg3[%dma_wait3A_151, %dma_wait3A_155] : memref<2x3200000xi32, #tpu.memory_space<hbm>> -> memref<1x200xi32, #tpu.memory_space<hbm>>
    %dma_wait3A_157 = tpu.memref_squeeze %dma_wait3A_156 : memref<1x200xi32, #tpu.memory_space<hbm>> -> memref<200xi32, #tpu.memory_space<hbm>>
    tpu.wait_dma2 semaphore(%arg28 : memref<!tpu.dma_semaphore, #tpu.memory_space<semaphore_mem>>) src(%dma_wait3A_157 : memref<200xi32, #tpu.memory_space<hbm>>) dst(%arg14 : memref<200xi32, #tpu.memory_space<vmem>>)
    %dma_wait3A_158 = arith.constant 0 : i32
    %dma_wait3A_159 = arith.constant 0 : i32
    %dma_wait3A_160 = tpu.memref_slice %arg3[%dma_wait3A_158, %dma_wait3A_159] : memref<2x3200000xi32, #tpu.memory_space<hbm>> -> memref<1x200xi32, #tpu.memory_space<hbm>>
    %dma_wait3A_161 = tpu.memref_squeeze %dma_wait3A_160 : memref<1x200xi32, #tpu.memory_space<hbm>> -> memref<200xi32, #tpu.memory_space<hbm>>
    %dma_wait3A_162 = arith.constant 0 : i32
    %dma_wait3A_163 = tpu.memref_slice %arg3[%dma_wait3A_158, %dma_wait3A_162] : memref<2x3200000xi32, #tpu.memory_space<hbm>> -> memref<1x200xi32, #tpu.memory_space<hbm>>
    %dma_wait3A_164 = tpu.memref_squeeze %dma_wait3A_163 : memref<1x200xi32, #tpu.memory_space<hbm>> -> memref<200xi32, #tpu.memory_space<hbm>>
    tpu.wait_dma2 semaphore(%arg29 : memref<!tpu.dma_semaphore, #tpu.memory_space<semaphore_mem>>) src(%dma_wait3A_164 : memref<200xi32, #tpu.memory_space<hbm>>) dst(%arg10 : memref<200xi32, #tpu.memory_space<vmem>>)
    %dma_wait3A_165 = arith.constant 0 : i32
    %dma_wait3A_166 = arith.constant 0 : i32
    %dma_wait3A_167 = tpu.memref_slice %arg3[%dma_wait3A_165, %dma_wait3A_166] : memref<2x3200000xi32, #tpu.memory_space<hbm>> -> memref<1x200xi32, #tpu.memory_space<hbm>>
    %dma_wait3A_168 = tpu.memref_squeeze %dma_wait3A_167 : memref<1x200xi32, #tpu.memory_space<hbm>> -> memref<200xi32, #tpu.memory_space<hbm>>
    %dma_wait3A_169 = arith.constant 0 : i32
    %dma_wait3A_170 = tpu.memref_slice %arg3[%dma_wait3A_165, %dma_wait3A_169] : memref<2x3200000xi32, #tpu.memory_space<hbm>> -> memref<1x200xi32, #tpu.memory_space<hbm>>
    %dma_wait3A_171 = tpu.memref_squeeze %dma_wait3A_170 : memref<1x200xi32, #tpu.memory_space<hbm>> -> memref<200xi32, #tpu.memory_space<hbm>>
    tpu.wait_dma2 semaphore(%arg29 : memref<!tpu.dma_semaphore, #tpu.memory_space<semaphore_mem>>) src(%dma_wait3A_171 : memref<200xi32, #tpu.memory_space<hbm>>) dst(%arg15 : memref<200xi32, #tpu.memory_space<vmem>>)
    %dma_wait3A_172 = arith.constant 0 : i32
    %dma_wait3A_173 = arith.constant 0 : i32
    %dma_wait3A_174 = tpu.memref_slice %arg3[%dma_wait3A_172, %dma_wait3A_173] : memref<2x3200000xi32, #tpu.memory_space<hbm>> -> memref<1x200xi32, #tpu.memory_space<hbm>>
    %dma_wait3A_175 = tpu.memref_squeeze %dma_wait3A_174 : memref<1x200xi32, #tpu.memory_space<hbm>> -> memref<200xi32, #tpu.memory_space<hbm>>
    %dma_wait3A_176 = arith.constant 0 : i32
    %dma_wait3A_177 = tpu.memref_slice %arg3[%dma_wait3A_172, %dma_wait3A_176] : memref<2x3200000xi32, #tpu.memory_space<hbm>> -> memref<1x200xi32, #tpu.memory_space<hbm>>
    %dma_wait3A_178 = tpu.memref_squeeze %dma_wait3A_177 : memref<1x200xi32, #tpu.memory_space<hbm>> -> memref<200xi32, #tpu.memory_space<hbm>>
    tpu.wait_dma2 semaphore(%arg30 : memref<!tpu.dma_semaphore, #tpu.memory_space<semaphore_mem>>) src(%dma_wait3A_178 : memref<200xi32, #tpu.memory_space<hbm>>) dst(%arg11 : memref<200xi32, #tpu.memory_space<vmem>>)
    %dma_wait3A_179 = arith.constant 0 : i32
    %dma_wait3A_180 = arith.constant 0 : i32
    %dma_wait3A_181 = tpu.memref_slice %arg3[%dma_wait3A_179, %dma_wait3A_180] : memref<2x3200000xi32, #tpu.memory_space<hbm>> -> memref<1x200xi32, #tpu.memory_space<hbm>>
    %dma_wait3A_182 = tpu.memref_squeeze %dma_wait3A_181 : memref<1x200xi32, #tpu.memory_space<hbm>> -> memref<200xi32, #tpu.memory_space<hbm>>
    %dma_wait3A_183 = arith.constant 0 : i32
    %dma_wait3A_184 = tpu.memref_slice %arg3[%dma_wait3A_179, %dma_wait3A_183] : memref<2x3200000xi32, #tpu.memory_space<hbm>> -> memref<1x200xi32, #tpu.memory_space<hbm>>
    %dma_wait3A_185 = tpu.memref_squeeze %dma_wait3A_184 : memref<1x200xi32, #tpu.memory_space<hbm>> -> memref<200xi32, #tpu.memory_space<hbm>>
    tpu.wait_dma2 semaphore(%arg30 : memref<!tpu.dma_semaphore, #tpu.memory_space<semaphore_mem>>) src(%dma_wait3A_185 : memref<200xi32, #tpu.memory_space<hbm>>) dst(%arg16 : memref<200xi32, #tpu.memory_space<vmem>>)
    %dma_wait3A_186 = arith.constant 0 : i32
    %dma_wait3A_187 = arith.constant 0 : i32
    %dma_wait3A_188 = tpu.memref_slice %arg3[%dma_wait3A_186, %dma_wait3A_187] : memref<2x3200000xi32, #tpu.memory_space<hbm>> -> memref<1x200xi32, #tpu.memory_space<hbm>>
    %dma_wait3A_189 = tpu.memref_squeeze %dma_wait3A_188 : memref<1x200xi32, #tpu.memory_space<hbm>> -> memref<200xi32, #tpu.memory_space<hbm>>
    %dma_wait3A_190 = arith.constant 0 : i32
    %dma_wait3A_191 = tpu.memref_slice %arg3[%dma_wait3A_186, %dma_wait3A_190] : memref<2x3200000xi32, #tpu.memory_space<hbm>> -> memref<1x200xi32, #tpu.memory_space<hbm>>
    %dma_wait3A_192 = tpu.memref_squeeze %dma_wait3A_191 : memref<1x200xi32, #tpu.memory_space<hbm>> -> memref<200xi32, #tpu.memory_space<hbm>>
    tpu.wait_dma2 semaphore(%arg31 : memref<!tpu.dma_semaphore, #tpu.memory_space<semaphore_mem>>) src(%dma_wait3A_192 : memref<200xi32, #tpu.memory_space<hbm>>) dst(%arg12 : memref<200xi32, #tpu.memory_space<vmem>>)
    %dma_wait3A_193 = arith.constant 0 : i32
    %dma_wait3A_194 = arith.constant 0 : i32
    %dma_wait3A_195 = tpu.memref_slice %arg3[%dma_wait3A_193, %dma_wait3A_194] : memref<2x3200000xi32, #tpu.memory_space<hbm>> -> memref<1x200xi32, #tpu.memory_space<hbm>>
    %dma_wait3A_196 = tpu.memref_squeeze %dma_wait3A_195 : memref<1x200xi32, #tpu.memory_space<hbm>> -> memref<200xi32, #tpu.memory_space<hbm>>
    %dma_wait3A_197 = arith.constant 0 : i32
    %dma_wait3A_198 = tpu.memref_slice %arg3[%dma_wait3A_193, %dma_wait3A_197] : memref<2x3200000xi32, #tpu.memory_space<hbm>> -> memref<1x200xi32, #tpu.memory_space<hbm>>
    %dma_wait3A_199 = tpu.memref_squeeze %dma_wait3A_198 : memref<1x200xi32, #tpu.memory_space<hbm>> -> memref<200xi32, #tpu.memory_space<hbm>>
    tpu.wait_dma2 semaphore(%arg31 : memref<!tpu.dma_semaphore, #tpu.memory_space<semaphore_mem>>) src(%dma_wait3A_199 : memref<200xi32, #tpu.memory_space<hbm>>) dst(%arg17 : memref<200xi32, #tpu.memory_space<vmem>>)
    %dma_wait3A_200 = arith.constant 0 : i32
    %dma_wait3A_201 = arith.constant 0 : i32
    %dma_wait3A_202 = tpu.memref_slice %arg3[%dma_wait3A_200, %dma_wait3A_201] : memref<2x3200000xi32, #tpu.memory_space<hbm>> -> memref<1x200xi32, #tpu.memory_space<hbm>>
    %dma_wait3A_203 = tpu.memref_squeeze %dma_wait3A_202 : memref<1x200xi32, #tpu.memory_space<hbm>> -> memref<200xi32, #tpu.memory_space<hbm>>
    %dma_wait3A_204 = arith.constant 0 : i32
    %dma_wait3A_205 = tpu.memref_slice %arg3[%dma_wait3A_200, %dma_wait3A_204] : memref<2x3200000xi32, #tpu.memory_space<hbm>> -> memref<1x200xi32, #tpu.memory_space<hbm>>
    %dma_wait3A_206 = tpu.memref_squeeze %dma_wait3A_205 : memref<1x200xi32, #tpu.memory_space<hbm>> -> memref<200xi32, #tpu.memory_space<hbm>>
    tpu.wait_dma2 semaphore(%arg32 : memref<!tpu.dma_semaphore, #tpu.memory_space<semaphore_mem>>) src(%dma_wait3A_206 : memref<200xi32, #tpu.memory_space<hbm>>) dst(%arg13 : memref<200xi32, #tpu.memory_space<vmem>>)
    %dma_wait3A_207 = arith.constant 0 : i32
    %dma_wait3A_208 = arith.constant 0 : i32
    %dma_wait3A_209 = tpu.memref_slice %arg3[%dma_wait3A_207, %dma_wait3A_208] : memref<2x3200000xi32, #tpu.memory_space<hbm>> -> memref<1x200xi32, #tpu.memory_space<hbm>>
    %dma_wait3A_210 = tpu.memref_squeeze %dma_wait3A_209 : memref<1x200xi32, #tpu.memory_space<hbm>> -> memref<200xi32, #tpu.memory_space<hbm>>
    %dma_wait3A_211 = arith.constant 0 : i32
    %dma_wait3A_212 = tpu.memref_slice %arg3[%dma_wait3A_207, %dma_wait3A_211] : memref<2x3200000xi32, #tpu.memory_space<hbm>> -> memref<1x200xi32, #tpu.memory_space<hbm>>
    %dma_wait3A_213 = tpu.memref_squeeze %dma_wait3A_212 : memref<1x200xi32, #tpu.memory_space<hbm>> -> memref<200xi32, #tpu.memory_space<hbm>>
    tpu.wait_dma2 semaphore(%arg32 : memref<!tpu.dma_semaphore, #tpu.memory_space<semaphore_mem>>) src(%dma_wait3A_213 : memref<200xi32, #tpu.memory_space<hbm>>) dst(%arg18 : memref<200xi32, #tpu.memory_space<vmem>>)
    %barrier3A_214 = arith.constant 0 : index
    tpu.barrier barrier_id(%barrier3A_214)
    %mul3A_215 = arith.constant 6272 : i32
    %mul3A_216 = arith.muli %arg1, %mul3A_215 : i32
    %mul3A_217 = arith.constant 100352 : i32
    %mul3A_218 = arith.muli %arg0, %mul3A_217 : i32
    %mul3A_219 = arith.constant 6272 : i32
    %mul3A_220 = arith.muli %arg1, %mul3A_219 : i32
    %add3A_221 = arith.addi %mul3A_218, %mul3A_220 : i32
    %dma_start3A_222 = arith.constant 0 : i32
    %dma_start3A_223 = tpu.memref_slice %arg7[%add3A_221, %dma_start3A_222] : memref<200704x16xf32, #tpu.memory_space<hbm>> -> memref<6272x16xf32, #tpu.memory_space<hbm>>
    %dma_start3A_224 = arith.constant 0 : i32
    %dma_start3A_225 = tpu.memref_slice %arg26[%mul3A_216, %dma_start3A_224] : memref<100352x16xf32, #tpu.memory_space<vmem_shared>> -> memref<6272x16xf32, #tpu.memory_space<vmem_shared>>
    tpu.enqueue_dma source(%dma_start3A_225 : memref<6272x16xf32, #tpu.memory_space<vmem_shared>>) target(%dma_start3A_223 : memref<6272x16xf32, #tpu.memory_space<hbm>>) target_semaphore(%arg43 : memref<!tpu.dma_semaphore, #tpu.memory_space<semaphore_mem>>)
    %mul3A_226 = arith.constant 6272 : i32
    %mul3A_227 = arith.muli %arg1, %mul3A_226 : i32
    %add3A_228 = arith.constant 0 : i32
    %add3A_229 = arith.addi %mul3A_227, %add3A_228 : i32
    "tpu.region"() ({
      %run_scoped3A = tpu.sem_alloc : memref<!tpu.dma_semaphore, #tpu.memory_space<semaphore_mem>>
      %dma_start3A_274 = tpu.memref_slice %arg27[%add3A_229] : memref<100352xf32, #tpu.memory_space<vmem_shared>> -> memref<2048xf32, #tpu.memory_space<vmem_shared>>
      %dma_start3A_275 = tpu.memref_slice %arg27[%add3A_229] : memref<100352xf32, #tpu.memory_space<vmem_shared>> -> memref<2048xf32, #tpu.memory_space<vmem_shared>>
      tpu.enqueue_dma source(%dma_start3A_275 : memref<2048xf32, #tpu.memory_space<vmem_shared>>) target(%arg25 : memref<2048xf32, #tpu.memory_space<vmem>>) target_semaphore(%run_scoped3A : memref<!tpu.dma_semaphore, #tpu.memory_space<semaphore_mem>>)
      %dma_wait3A_276 = tpu.memref_slice %arg27[%add3A_229] : memref<100352xf32, #tpu.memory_space<vmem_shared>> -> memref<2048xf32, #tpu.memory_space<vmem_shared>>
      %dma_wait3A_277 = tpu.memref_slice %arg27[%add3A_229] : memref<100352xf32, #tpu.memory_space<vmem_shared>> -> memref<2048xf32, #tpu.memory_space<vmem_shared>>
      tpu.wait_dma2 semaphore(%run_scoped3A : memref<!tpu.dma_semaphore, #tpu.memory_space<semaphore_mem>>) src(%dma_wait3A_277 : memref<2048xf32, #tpu.memory_space<vmem_shared>>) dst(%arg25 : memref<2048xf32, #tpu.memory_space<vmem>>)
      tpu.yield
    }) : () -> ()
    %mul3A_230 = arith.constant 100352 : i32
    %mul3A_231 = arith.muli %arg0, %mul3A_230 : i32
    %mul3A_232 = arith.constant 6272 : i32
    %mul3A_233 = arith.muli %arg1, %mul3A_232 : i32
    %add3A_234 = arith.addi %mul3A_231, %mul3A_233 : i32
    %add3A_235 = arith.constant 0 : i32
    %add3A_236 = arith.addi %add3A_234, %add3A_235 : i32
    "tpu.region"() ({
      %run_scoped3A = tpu.sem_alloc : memref<!tpu.dma_semaphore, #tpu.memory_space<semaphore_mem>>
      %dma_start3A_274 = tpu.memref_slice %arg8[%add3A_236] : memref<200704xf32, #tpu.memory_space<hbm>> -> memref<2048xf32, #tpu.memory_space<hbm>>
      %dma_start3A_275 = tpu.memref_slice %arg8[%add3A_236] : memref<200704xf32, #tpu.memory_space<hbm>> -> memref<2048xf32, #tpu.memory_space<hbm>>
      tpu.enqueue_dma source(%arg25 : memref<2048xf32, #tpu.memory_space<vmem>>) target(%dma_start3A_275 : memref<2048xf32, #tpu.memory_space<hbm>>) target_semaphore(%run_scoped3A : memref<!tpu.dma_semaphore, #tpu.memory_space<semaphore_mem>>)
      %dma_wait3A_276 = tpu.memref_slice %arg8[%add3A_236] : memref<200704xf32, #tpu.memory_space<hbm>> -> memref<2048xf32, #tpu.memory_space<hbm>>
      %dma_wait3A_277 = tpu.memref_slice %arg8[%add3A_236] : memref<200704xf32, #tpu.memory_space<hbm>> -> memref<2048xf32, #tpu.memory_space<hbm>>
      tpu.wait_dma2 semaphore(%run_scoped3A : memref<!tpu.dma_semaphore, #tpu.memory_space<semaphore_mem>>) src(%arg25 : memref<2048xf32, #tpu.memory_space<vmem>>) dst(%dma_wait3A_277 : memref<2048xf32, #tpu.memory_space<hbm>>)
      tpu.yield
    }) : () -> ()
    %mul3A_237 = arith.constant 6272 : i32
    %mul3A_238 = arith.muli %arg1, %mul3A_237 : i32
    %add3A_239 = arith.constant 2048 : i32
    %add3A_240 = arith.addi %mul3A_238, %add3A_239 : i32
    "tpu.region"() ({
      %run_scoped3A = tpu.sem_alloc : memref<!tpu.dma_semaphore, #tpu.memory_space<semaphore_mem>>
      %dma_start3A_274 = tpu.memref_slice %arg27[%add3A_240] : memref<100352xf32, #tpu.memory_space<vmem_shared>> -> memref<2048xf32, #tpu.memory_space<vmem_shared>>
      %dma_start3A_275 = tpu.memref_slice %arg27[%add3A_240] : memref<100352xf32, #tpu.memory_space<vmem_shared>> -> memref<2048xf32, #tpu.memory_space<vmem_shared>>
      tpu.enqueue_dma source(%dma_start3A_275 : memref<2048xf32, #tpu.memory_space<vmem_shared>>) target(%arg25 : memref<2048xf32, #tpu.memory_space<vmem>>) target_semaphore(%run_scoped3A : memref<!tpu.dma_semaphore, #tpu.memory_space<semaphore_mem>>)
      %dma_wait3A_276 = tpu.memref_slice %arg27[%add3A_240] : memref<100352xf32, #tpu.memory_space<vmem_shared>> -> memref<2048xf32, #tpu.memory_space<vmem_shared>>
      %dma_wait3A_277 = tpu.memref_slice %arg27[%add3A_240] : memref<100352xf32, #tpu.memory_space<vmem_shared>> -> memref<2048xf32, #tpu.memory_space<vmem_shared>>
      tpu.wait_dma2 semaphore(%run_scoped3A : memref<!tpu.dma_semaphore, #tpu.memory_space<semaphore_mem>>) src(%dma_wait3A_277 : memref<2048xf32, #tpu.memory_space<vmem_shared>>) dst(%arg25 : memref<2048xf32, #tpu.memory_space<vmem>>)
      tpu.yield
    }) : () -> ()
    %mul3A_241 = arith.constant 100352 : i32
    %mul3A_242 = arith.muli %arg0, %mul3A_241 : i32
    %mul3A_243 = arith.constant 6272 : i32
    %mul3A_244 = arith.muli %arg1, %mul3A_243 : i32
    %add3A_245 = arith.addi %mul3A_242, %mul3A_244 : i32
    %add3A_246 = arith.constant 2048 : i32
    %add3A_247 = arith.addi %add3A_245, %add3A_246 : i32
    "tpu.region"() ({
      %run_scoped3A = tpu.sem_alloc : memref<!tpu.dma_semaphore, #tpu.memory_space<semaphore_mem>>
      %dma_start3A_274 = tpu.memref_slice %arg8[%add3A_247] : memref<200704xf32, #tpu.memory_space<hbm>> -> memref<2048xf32, #tpu.memory_space<hbm>>
      %dma_start3A_275 = tpu.memref_slice %arg8[%add3A_247] : memref<200704xf32, #tpu.memory_space<hbm>> -> memref<2048xf32, #tpu.memory_space<hbm>>
      tpu.enqueue_dma source(%arg25 : memref<2048xf32, #tpu.memory_space<vmem>>) target(%dma_start3A_275 : memref<2048xf32, #tpu.memory_space<hbm>>) target_semaphore(%run_scoped3A : memref<!tpu.dma_semaphore, #tpu.memory_space<semaphore_mem>>)
      %dma_wait3A_276 = tpu.memref_slice %arg8[%add3A_247] : memref<200704xf32, #tpu.memory_space<hbm>> -> memref<2048xf32, #tpu.memory_space<hbm>>
      %dma_wait3A_277 = tpu.memref_slice %arg8[%add3A_247] : memref<200704xf32, #tpu.memory_space<hbm>> -> memref<2048xf32, #tpu.memory_space<hbm>>
      tpu.wait_dma2 semaphore(%run_scoped3A : memref<!tpu.dma_semaphore, #tpu.memory_space<semaphore_mem>>) src(%arg25 : memref<2048xf32, #tpu.memory_space<vmem>>) dst(%dma_wait3A_277 : memref<2048xf32, #tpu.memory_space<hbm>>)
      tpu.yield
    }) : () -> ()
    %mul3A_248 = arith.constant 6272 : i32
    %mul3A_249 = arith.muli %arg1, %mul3A_248 : i32
    %add3A_250 = arith.constant 4096 : i32
    %add3A_251 = arith.addi %mul3A_249, %add3A_250 : i32
    "tpu.region"() ({
      %run_scoped3A = tpu.sem_alloc : memref<!tpu.dma_semaphore, #tpu.memory_space<semaphore_mem>>
      %dma_start3A_274 = tpu.memref_slice %arg27[%add3A_251] : memref<100352xf32, #tpu.memory_space<vmem_shared>> -> memref<2048xf32, #tpu.memory_space<vmem_shared>>
      %dma_start3A_275 = tpu.memref_slice %arg27[%add3A_251] : memref<100352xf32, #tpu.memory_space<vmem_shared>> -> memref<2048xf32, #tpu.memory_space<vmem_shared>>
      tpu.enqueue_dma source(%dma_start3A_275 : memref<2048xf32, #tpu.memory_space<vmem_shared>>) target(%arg25 : memref<2048xf32, #tpu.memory_space<vmem>>) target_semaphore(%run_scoped3A : memref<!tpu.dma_semaphore, #tpu.memory_space<semaphore_mem>>)
      %dma_wait3A_276 = tpu.memref_slice %arg27[%add3A_251] : memref<100352xf32, #tpu.memory_space<vmem_shared>> -> memref<2048xf32, #tpu.memory_space<vmem_shared>>
      %dma_wait3A_277 = tpu.memref_slice %arg27[%add3A_251] : memref<100352xf32, #tpu.memory_space<vmem_shared>> -> memref<2048xf32, #tpu.memory_space<vmem_shared>>
      tpu.wait_dma2 semaphore(%run_scoped3A : memref<!tpu.dma_semaphore, #tpu.memory_space<semaphore_mem>>) src(%dma_wait3A_277 : memref<2048xf32, #tpu.memory_space<vmem_shared>>) dst(%arg25 : memref<2048xf32, #tpu.memory_space<vmem>>)
      tpu.yield
    }) : () -> ()
    %mul3A_252 = arith.constant 100352 : i32
    %mul3A_253 = arith.muli %arg0, %mul3A_252 : i32
    %mul3A_254 = arith.constant 6272 : i32
    %mul3A_255 = arith.muli %arg1, %mul3A_254 : i32
    %add3A_256 = arith.addi %mul3A_253, %mul3A_255 : i32
    %add3A_257 = arith.constant 4096 : i32
    %add3A_258 = arith.addi %add3A_256, %add3A_257 : i32
    "tpu.region"() ({
      %run_scoped3A = tpu.sem_alloc : memref<!tpu.dma_semaphore, #tpu.memory_space<semaphore_mem>>
      %dma_start3A_274 = tpu.memref_slice %arg8[%add3A_258] : memref<200704xf32, #tpu.memory_space<hbm>> -> memref<2048xf32, #tpu.memory_space<hbm>>
      %dma_start3A_275 = tpu.memref_slice %arg8[%add3A_258] : memref<200704xf32, #tpu.memory_space<hbm>> -> memref<2048xf32, #tpu.memory_space<hbm>>
      tpu.enqueue_dma source(%arg25 : memref<2048xf32, #tpu.memory_space<vmem>>) target(%dma_start3A_275 : memref<2048xf32, #tpu.memory_space<hbm>>) target_semaphore(%run_scoped3A : memref<!tpu.dma_semaphore, #tpu.memory_space<semaphore_mem>>)
      %dma_wait3A_276 = tpu.memref_slice %arg8[%add3A_258] : memref<200704xf32, #tpu.memory_space<hbm>> -> memref<2048xf32, #tpu.memory_space<hbm>>
      %dma_wait3A_277 = tpu.memref_slice %arg8[%add3A_258] : memref<200704xf32, #tpu.memory_space<hbm>> -> memref<2048xf32, #tpu.memory_space<hbm>>
      tpu.wait_dma2 semaphore(%run_scoped3A : memref<!tpu.dma_semaphore, #tpu.memory_space<semaphore_mem>>) src(%arg25 : memref<2048xf32, #tpu.memory_space<vmem>>) dst(%dma_wait3A_277 : memref<2048xf32, #tpu.memory_space<hbm>>)
      tpu.yield
    }) : () -> ()
    %mul3A_259 = arith.constant 6272 : i32
    %mul3A_260 = arith.muli %arg1, %mul3A_259 : i32
    %add3A_261 = arith.constant 6144 : i32
    %add3A_262 = arith.addi %mul3A_260, %add3A_261 : i32
    "tpu.region"() ({
      %run_scoped3A = tpu.sem_alloc : memref<!tpu.dma_semaphore, #tpu.memory_space<semaphore_mem>>
      %dma_start3A_274 = arith.constant 0 : i32
      %dma_start3A_275 = tpu.memref_slice %arg25[%dma_start3A_274] : memref<2048xf32, #tpu.memory_space<vmem>> -> memref<128xf32, #tpu.memory_space<vmem>>
      %dma_start3A_276 = tpu.memref_slice %arg27[%add3A_262] : memref<100352xf32, #tpu.memory_space<vmem_shared>> -> memref<128xf32, #tpu.memory_space<vmem_shared>>
      %dma_start3A_277 = arith.constant 0 : i32
      %dma_start3A_278 = tpu.memref_slice %arg25[%dma_start3A_277] : memref<2048xf32, #tpu.memory_space<vmem>> -> memref<128xf32, #tpu.memory_space<vmem>>
      %dma_start3A_279 = tpu.memref_slice %arg27[%add3A_262] : memref<100352xf32, #tpu.memory_space<vmem_shared>> -> memref<128xf32, #tpu.memory_space<vmem_shared>>
      tpu.enqueue_dma source(%dma_start3A_279 : memref<128xf32, #tpu.memory_space<vmem_shared>>) target(%dma_start3A_278 : memref<128xf32, #tpu.memory_space<vmem>>) target_semaphore(%run_scoped3A : memref<!tpu.dma_semaphore, #tpu.memory_space<semaphore_mem>>)
      %dma_wait3A_280 = arith.constant 0 : i32
      %dma_wait3A_281 = tpu.memref_slice %arg25[%dma_wait3A_280] : memref<2048xf32, #tpu.memory_space<vmem>> -> memref<128xf32, #tpu.memory_space<vmem>>
      %dma_wait3A_282 = tpu.memref_slice %arg27[%add3A_262] : memref<100352xf32, #tpu.memory_space<vmem_shared>> -> memref<128xf32, #tpu.memory_space<vmem_shared>>
      %dma_wait3A_283 = arith.constant 0 : i32
      %dma_wait3A_284 = tpu.memref_slice %arg25[%dma_wait3A_283] : memref<2048xf32, #tpu.memory_space<vmem>> -> memref<128xf32, #tpu.memory_space<vmem>>
      %dma_wait3A_285 = tpu.memref_slice %arg27[%add3A_262] : memref<100352xf32, #tpu.memory_space<vmem_shared>> -> memref<128xf32, #tpu.memory_space<vmem_shared>>
      tpu.wait_dma2 semaphore(%run_scoped3A : memref<!tpu.dma_semaphore, #tpu.memory_space<semaphore_mem>>) src(%dma_wait3A_285 : memref<128xf32, #tpu.memory_space<vmem_shared>>) dst(%dma_wait3A_284 : memref<128xf32, #tpu.memory_space<vmem>>)
      tpu.yield
    }) : () -> ()
    %mul3A_263 = arith.constant 100352 : i32
    %mul3A_264 = arith.muli %arg0, %mul3A_263 : i32
    %mul3A_265 = arith.constant 6272 : i32
    %mul3A_266 = arith.muli %arg1, %mul3A_265 : i32
    %add3A_267 = arith.addi %mul3A_264, %mul3A_266 : i32
    %add3A_268 = arith.constant 6144 : i32
    %add3A_269 = arith.addi %add3A_267, %add3A_268 : i32
    "tpu.region"() ({
      %run_scoped3A = tpu.sem_alloc : memref<!tpu.dma_semaphore, #tpu.memory_space<semaphore_mem>>
      %dma_start3A_274 = arith.constant 0 : i32
      %dma_start3A_275 = tpu.memref_slice %arg25[%dma_start3A_274] : memref<2048xf32, #tpu.memory_space<vmem>> -> memref<128xf32, #tpu.memory_space<vmem>>
      %dma_start3A_276 = tpu.memref_slice %arg8[%add3A_269] : memref<200704xf32, #tpu.memory_space<hbm>> -> memref<128xf32, #tpu.memory_space<hbm>>
      %dma_start3A_277 = tpu.memref_slice %arg8[%add3A_269] : memref<200704xf32, #tpu.memory_space<hbm>> -> memref<128xf32, #tpu.memory_space<hbm>>
      %dma_start3A_278 = arith.constant 0 : i32
      %dma_start3A_279 = tpu.memref_slice %arg25[%dma_start3A_278] : memref<2048xf32, #tpu.memory_space<vmem>> -> memref<128xf32, #tpu.memory_space<vmem>>
      tpu.enqueue_dma source(%dma_start3A_279 : memref<128xf32, #tpu.memory_space<vmem>>) target(%dma_start3A_277 : memref<128xf32, #tpu.memory_space<hbm>>) target_semaphore(%run_scoped3A : memref<!tpu.dma_semaphore, #tpu.memory_space<semaphore_mem>>)
      %dma_wait3A_280 = arith.constant 0 : i32
      %dma_wait3A_281 = tpu.memref_slice %arg25[%dma_wait3A_280] : memref<2048xf32, #tpu.memory_space<vmem>> -> memref<128xf32, #tpu.memory_space<vmem>>
      %dma_wait3A_282 = tpu.memref_slice %arg8[%add3A_269] : memref<200704xf32, #tpu.memory_space<hbm>> -> memref<128xf32, #tpu.memory_space<hbm>>
      %dma_wait3A_283 = tpu.memref_slice %arg8[%add3A_269] : memref<200704xf32, #tpu.memory_space<hbm>> -> memref<128xf32, #tpu.memory_space<hbm>>
      %dma_wait3A_284 = arith.constant 0 : i32
      %dma_wait3A_285 = tpu.memref_slice %arg25[%dma_wait3A_284] : memref<2048xf32, #tpu.memory_space<vmem>> -> memref<128xf32, #tpu.memory_space<vmem>>
      tpu.wait_dma2 semaphore(%run_scoped3A : memref<!tpu.dma_semaphore, #tpu.memory_space<semaphore_mem>>) src(%dma_wait3A_285 : memref<128xf32, #tpu.memory_space<vmem>>) dst(%dma_wait3A_283 : memref<128xf32, #tpu.memory_space<hbm>>)
      tpu.yield
    }) : () -> ()
    %dma_wait3A_270 = arith.constant 0 : i32
    %dma_wait3A_271 = tpu.memref_slice %arg7[%add3A_221, %dma_wait3A_270] : memref<200704x16xf32, #tpu.memory_space<hbm>> -> memref<6272x16xf32, #tpu.memory_space<hbm>>
    %dma_wait3A_272 = arith.constant 0 : i32
    %dma_wait3A_273 = tpu.memref_slice %arg26[%mul3A_216, %dma_wait3A_272] : memref<100352x16xf32, #tpu.memory_space<vmem_shared>> -> memref<6272x16xf32, #tpu.memory_space<vmem_shared>>
    tpu.wait_dma2 semaphore(%arg43 : memref<!tpu.dma_semaphore, #tpu.memory_space<semaphore_mem>>) src(%dma_wait3A_273 : memref<6272x16xf32, #tpu.memory_space<vmem_shared>>) dst(%dma_wait3A_271 : memref<6272x16xf32, #tpu.memory_space<hbm>>)
    return
  }
}

module attributes {stable_mosaic.version = 14 : i64} {
  func.func @_tc_body(%arg0: i32, %arg1: memref<7168x16xf32, #tpu.memory_space<vmem>>, %arg2: memref<7168x16xf32, #tpu.memory_space<vmem>>, %arg3: memref<7168xf32, #tpu.memory_space<vmem>>, %arg4: memref<7168xf32, #tpu.memory_space<vmem>>, %arg5: memref<7168x16xf32, #tpu.memory_space<vmem>>, %arg6: memref<16x16xf32, #tpu.memory_space<vmem>>, %arg7: memref<1x16xf32, #tpu.memory_space<vmem>>, %arg8: memref<16x16xf32, #tpu.memory_space<vmem>>, %arg9: memref<7168x16xf32, #tpu.memory_space<vmem>>) attributes {dimension_semantics = [#tpu.dimension_semantics<arbitrary>], iteration_bounds = array<i64: 14>, scalar_prefetch = 0 : i64, scratch_operands = 0 : i64, tpu.core_type = #tpu.core_type<tc>, window_params = [{transform_indices = @transform_0, window_bounds = array<i64: 7168, 16>}, {transform_indices = @transform_1, window_bounds = array<i64: 7168, 16>}, {transform_indices = @transform_2, window_bounds = array<i64: 7168>}, {transform_indices = @transform_3, window_bounds = array<i64: 7168>}, {transform_indices = @transform_4, window_bounds = array<i64: 7168, 16>}, {pipeline_mode = #tpu.pipeline_mode<synchronous>, transform_indices = @transform_5, window_bounds = array<i64: 16, 16>}, {pipeline_mode = #tpu.pipeline_mode<synchronous>, transform_indices = @transform_6, window_bounds = array<i64: 1, 16>}, {pipeline_mode = #tpu.pipeline_mode<synchronous>, transform_indices = @transform_7, window_bounds = array<i64: 16, 16>}, {transform_indices = @transform_8, window_bounds = array<i64: 7168, 16>}]} {
    %get3A = arith.constant 0 : index
    %get3A_0 = arith.constant 0 : index
    %get3A_1 = vector.load %arg1[%get3A, %get3A_0] : memref<7168x16xf32, #tpu.memory_space<vmem>>, vector<7168x16xf32>
    %get3A_2 = arith.constant 0 : index
    %get3A_3 = arith.constant 0 : index
    %get3A_4 = vector.load %arg2[%get3A_2, %get3A_3] : memref<7168x16xf32, #tpu.memory_space<vmem>>, vector<7168x16xf32>
    %add3A = arith.addf %get3A_1, %get3A_4 : vector<7168x16xf32>
    %get3A_5 = arith.constant 0 : index
    %get3A_6 = vector.load %arg3[%get3A_5] : memref<7168xf32, #tpu.memory_space<vmem>>, vector<7168xf32>
    %get3A_7 = arith.constant 0 : index
    %get3A_8 = vector.load %arg4[%get3A_7] : memref<7168xf32, #tpu.memory_space<vmem>>, vector<7168xf32>
    %add3A_9 = arith.addf %get3A_6, %get3A_8 : vector<7168xf32>
    %max3A = arith.constant 1.000000e+00 : f32
    %max3A_10 = vector.broadcast %max3A : f32 to vector<7168xf32>
    %max3A_11 = arith.maximumf %add3A_9, %max3A_10 : vector<7168xf32>
    %broadcast_in_dim3A = vector.shape_cast %max3A_11 : vector<7168xf32> to vector<7168x1xf32>
    %div3A = vector.broadcast %broadcast_in_dim3A : vector<7168x1xf32> to vector<7168x16xf32>
    %div3A_12 = arith.divf %add3A, %div3A : vector<7168x16xf32>
    %get3A_13 = arith.constant 0 : index
    %get3A_14 = arith.constant 0 : index
    %get3A_15 = vector.load %arg6[%get3A_13, %get3A_14] : memref<16x16xf32, #tpu.memory_space<vmem>>, vector<16x16xf32>
    %dot_general3A = arith.constant dense<0.000000e+00> : vector<7168x16xf32>
    %dot_general3A_16 = tpu.matmul %div3A_12, %get3A_15, %dot_general3A {dimension_numbers = #tpu.dot_dimension_numbers<[1], [1], [0], [0], [0, 0, 1, 0], [], []>, transpose_lhs_hint = false} : vector<7168x16xf32>, vector<16x16xf32>, vector<7168x16xf32> -> vector<7168x16xf32>
    %get3A_17 = arith.constant 0 : index
    %get3A_18 = arith.constant 0 : index
    %get3A_19 = vector.load %arg5[%get3A_17, %get3A_18] : memref<7168x16xf32, #tpu.memory_space<vmem>>, vector<7168x16xf32>
    %get3A_20 = arith.constant 0 : index
    %get3A_21 = arith.constant 0 : index
    %get3A_22 = vector.load %arg8[%get3A_20, %get3A_21] : memref<16x16xf32, #tpu.memory_space<vmem>>, vector<16x16xf32>
    %dot_general3A_23 = arith.constant dense<0.000000e+00> : vector<7168x16xf32>
    %dot_general3A_24 = tpu.matmul %get3A_19, %get3A_22, %dot_general3A_23 {dimension_numbers = #tpu.dot_dimension_numbers<[1], [1], [0], [0], [0, 0, 1, 0], [], []>, transpose_lhs_hint = false} : vector<7168x16xf32>, vector<16x16xf32>, vector<7168x16xf32> -> vector<7168x16xf32>
    %add3A_25 = arith.addf %dot_general3A_16, %dot_general3A_24 : vector<7168x16xf32>
    %get3A_26 = arith.constant 0 : index
    %get3A_27 = arith.constant 0 : index
    %get3A_28 = vector.load %arg7[%get3A_26, %get3A_27] : memref<1x16xf32, #tpu.memory_space<vmem>>, vector<1x16xf32>
    %add3A_29 = vector.broadcast %get3A_28 : vector<1x16xf32> to vector<7168x16xf32>
    %add3A_30 = arith.addf %add3A_25, %add3A_29 : vector<7168x16xf32>
    %swap3A = arith.constant 0 : index
    %swap3A_31 = arith.constant 0 : index
    %swap3A_32 = vector.load %arg9[%swap3A, %swap3A_31] : memref<7168x16xf32, #tpu.memory_space<vmem>>, vector<7168x16xf32>
    tpu.vector_store %arg9[%swap3A, %swap3A_31], %add3A_30 {strides = array<i32>} : memref<7168x16xf32, #tpu.memory_space<vmem>>, vector<7168x16xf32>,
    return
  }
  func.func @transform_0(%arg0: i32) -> (i32, i32) {
    %c0_i32 = arith.constant 0 : i32
    %c0_i32_0 = arith.constant 0 : i32
    return %arg0, %c0_i32 : i32, i32
  }
  func.func @transform_1(%arg0: i32) -> (i32, i32) {
    %add3A = arith.constant 14 : i32
    %add3A_0 = arith.addi %arg0, %add3A : i32
    %c0_i32 = arith.constant 0 : i32
    %c0_i32_1 = arith.constant 0 : i32
    return %add3A_0, %c0_i32 : i32, i32
  }
  func.func @transform_2(%arg0: i32) -> i32 {
    %c0_i32 = arith.constant 0 : i32
    return %arg0 : i32
  }
  func.func @transform_3(%arg0: i32) -> i32 {
    %add3A = arith.constant 14 : i32
    %add3A_0 = arith.addi %arg0, %add3A : i32
    %c0_i32 = arith.constant 0 : i32
    return %add3A_0 : i32
  }
  func.func @transform_4(%arg0: i32) -> (i32, i32) {
    %c0_i32 = arith.constant 0 : i32
    %c0_i32_0 = arith.constant 0 : i32
    return %arg0, %c0_i32 : i32, i32
  }
  func.func @transform_5(%arg0: i32) -> (i32, i32) {
    %c0_i32 = arith.constant 0 : i32
    %c0_i32_0 = arith.constant 0 : i32
    %c0_i32_1 = arith.constant 0 : i32
    return %c0_i32, %c0_i32_0 : i32, i32
  }
  func.func @transform_6(%arg0: i32) -> (i32, i32) {
    %c0_i32 = arith.constant 0 : i32
    %c0_i32_0 = arith.constant 0 : i32
    %c0_i32_1 = arith.constant 0 : i32
    return %c0_i32, %c0_i32_0 : i32, i32
  }
  func.func @transform_7(%arg0: i32) -> (i32, i32) {
    %c0_i32 = arith.constant 0 : i32
    %c0_i32_0 = arith.constant 0 : i32
    %c0_i32_1 = arith.constant 0 : i32
    return %c0_i32, %c0_i32_0 : i32, i32
  }
  func.func @transform_8(%arg0: i32) -> (i32, i32) {
    %c0_i32 = arith.constant 0 : i32
    %c0_i32_0 = arith.constant 0 : i32
    return %arg0, %c0_i32 : i32, i32
  }
}

</mosaic_0001>

<sc_bundles>
// kernel: kernel.4.cloned.1.call-start
scs
__scs_entry_jumppad:
0x0: {  	(pc) =	sbr.rel $0x88, $3  }
0x1: {  	(tag) =	ssettag $0x0;
	lr =	simm.s32 $0x1  }
0x2: {  	[smem:$0x3F9C] =	sst lr;
	_ =	strace $0xD0000000  }
0x3: {  	_ = 	snop  }
0x4: {  	_ = 	snop  }
0x5: {  	_ = 	snop  }
0x6: {  	_ = 	snop  }
0x7: {  	_ = 	snop  }
__scs_overlays_trampoline_lowered:
0x8: {  	[smem:$0x3FAB] =	sst s0  }
0x9: {  	[smem:$0x3FAC] =	sst s1  }
0xa: {  	[smem:$0x3FAD] =	sst s2  }
0xb: {  	[smem:$0x3FAE] =	sst s3  }
0xc: {  	[smem:$0x3FAF] =	sst s4  }
0xd: {  	[smem:$0x3FB0] =	sst s5  }
0xe: {  	[smem:$0x3FB1] =	sst s6  }
0xf: {  	[smem:$0x3FB2] =	sst s7  }
0x10: {  	[smem:$0x3FB3] =	sst s8  }
0x11: {  	[smem:$0x3FB4] =	sst s9;
	s0 =	simm.s32 @!p0 $0x0  }
0x12: {  	s1 =	sld [smem:$0x3F9A];
	s0 =	simm.s32 @p0 $0x1  }
0x13: {  	[smem:$0x3FB5] =	sst s0;
	s0 =	simm.s32 @!p1 $0x0  }
0x14: {  	s2 =	sld [smem:$0x3F99];
	s0 =	simm.s32 @p1 $0x1  }
0x15: {  	[smem:$0x3FB6] =	sst s0;
	s0 =	simm.s32 @!p2 $0x0  }
0x16: {  	s3 =	sld [smem:$0x3FDB];
	s0 =	simm.s32 @p2 $0x1  }
0x17: {  	s4 =	simm.s32 $0x1BF5;
	[smem:$0x3FB8] =	sst s0  }
0x18: {  	s0 =	sld [smem:$0x3F9B];
	_ =	swait.ge [sflag:s4], $0x0  }
0x19: {  	s7 =	sld [smem:$0x3F9C]  }
0x1a: {  	s8 =	sadd.s32 $0xFFFFE003, lr  }
0x1b: {  	s9 =	sadd.s32 $0xFFFFFEF7, lr;
	s5 =	simm.s32 $0xFFFFFFFF;
	p2 =	slt.u32 s8, $0xFFFFF086  }
0x1c: {  	p1 =	slt.u32 s9, $0xF7A;
	s5 =	simm.s32 @!p2 $0x0  }
0x1d: {  	s5 =	simm.s32 @p1 $0x1;
	p0 =	seq.s32 s7, s2  }
0x1e: {  	s7 =	smul.u32 @!p0 $0xF7A, s2;
	p2 =	seq.s32 @!p0 s5, $0x0  }
0x1f: {  	s9 =	smul.u32 $0xF7A, s1;
	s8 =	simm.s32 @!p0 $0x1BF5;
	p2 =	por !p2, p0  }
0x20: {  	[sflag:s8] =	ssyncset.s32 @!p0 $0xFFFFF086;
	s6 =	sadd.s32 @!p0 s3, s7;
	s7 =	simm.s32 @!p0 $0x108  }
0x21: {  	s3 =	sadd.s32 s3, s9;
	s6 =	sadd.s32 @!p0 $0x88, s6;
	s7 =	simm.s32 @p2 $0x1082  }
0x22: {  	[simem:s7], [sflag:s8] =	dma.local @!p0 [hbm:s6], $0xF7A  }
0x23: {  	s9 =	sor.u32 $0xD0000000, s2;
	s6 =	simm.s32 $0x108;
	_ =	swait.ge @!p0 [sflag:s8], $0x0  }
0x24: {  	s3 =	sadd.s32 $0x88, s3;
	s6 =	simm.s32 @!p1 $0x1082;
	[sflag:s4] =	ssyncset.s32 $0xFFFFF086  }
0x25: {  	[simem:s6], [sflag:s4] =	dma.local [hbm:s3], $0xF7A  }
0x26: {  	[smem:$0x3F9C] =	sst s1;
	(tag) =	ssettag s2;
	_ =	strace s9  }
0x27: {  	s1 =	sld [smem:$0x3FAC]  }
0x28: {  	s2 =	sld [smem:$0x3FAD]  }
0x29: {  	s4 =	sld [smem:$0x3FAF]  }
0x2a: {  	p0 =	seq.s32 s5, $0x0;
	s5 =	sld [smem:$0x3FB0]  }
0x2b: {  	s6 =	sld [smem:$0x3FB1]  }
0x2c: {  	s7 =	sld [smem:$0x3FB2]  }
0x2d: {  	s3 =	simm.s32 $0x108;
	s8 =	sld [smem:$0x3FB3]  }
0x2e: {  	s3 =	simm.s32 @!p0 $0x1082;
	s9 =	sld [smem:$0x3FB4]  }
0x2f: {  	lr =	sadd.s32 s0, s3;
	s0 =	sld [smem:$0x3FAB]  }
0x30: {  	s3 =	sld [smem:$0x3FAE]  }
0x31: {  	[smem:$0x3FB7] =	sst s10  }
0x32: {  	s10 =	sld [smem:$0x3FB5];
	_ =	sdelay $0x3  }
0x33: {  	p0 =	seq.s32 s10, $0x1;
	s10 =	sld [smem:$0x3FB7];
	_ =	sdelay $0x3  }
0x34: {  	[smem:$0x3FB7] =	sst s10  }
0x35: {  	s10 =	sld [smem:$0x3FB6];
	_ =	sdelay $0x3  }
0x36: {  	p1 =	seq.s32 s10, $0x1;
	s10 =	sld [smem:$0x3FB7];
	_ =	sdelay $0x3  }
0x37: {  	[smem:$0x3FB7] =	sst s10  }
0x38: {  	s10 =	sld [smem:$0x3FB8]  }
0x39: {  	_ = 	snop;
	(pc) =	sbr.ind lr, $3  }
0x3a: {  	_ = 	snop  }
0x3b: {  	_ = 	snop  }
0x3c: {  	p2 =	seq.s32 s10, $0x1;
	s10 =	sld [smem:$0x3FB7]  }
0x3d: {  	_ =	shalt  }
0x3e: {  	_ =	shalt  }
0x3f: {  	_ =	shalt  }
0x40: {  	_ =	shalt  }
0x41: {  	_ =	shalt  }
0x42: {  	_ =	shalt  }
0x43: {  	_ =	shalt  }
0x44: {  	_ =	shalt  }
0x45: {  	_ =	shalt  }
0x46: {  	_ =	shalt  }
0x47: {  	_ =	shalt  }
0x48: {  	_ =	shalt  }
0x49: {  	_ =	shalt  }
0x4a: {  	_ =	shalt  }
0x4b: {  	_ =	shalt  }
0x4c: {  	_ =	shalt  }
0x4d: {  	_ =	shalt  }
0x4e: {  	_ =	shalt  }
0x4f: {  	_ =	shalt  }
0x50: {  	_ =	shalt  }
0x51: {  	_ =	shalt  }
0x52: {  	_ =	shalt  }
0x53: {  	_ =	shalt  }
0x54: {  	_ =	shalt  }
0x55: {  	_ =	shalt  }
0x56: {  	_ =	shalt  }
0x57: {  	_ =	shalt  }
0x58: {  	_ =	shalt  }
0x59: {  	_ =	shalt  }
0x5a: {  	_ =	shalt  }
0x5b: {  	_ =	shalt  }
0x5c: {  	_ =	shalt  }
0x5d: {  	_ =	shalt  }
0x5e: {  	_ =	shalt  }
0x5f: {  	_ =	shalt  }
0x60: {  	_ =	shalt  }
0x61: {  	_ =	shalt  }
0x62: {  	_ =	shalt  }
0x63: {  	_ =	shalt  }
0x64: {  	_ =	shalt  }
0x65: {  	_ =	shalt  }
0x66: {  	_ =	shalt  }
0x67: {  	_ =	shalt  }
0x68: {  	_ =	shalt  }
0x69: {  	_ =	shalt  }
0x6a: {  	_ =	shalt  }
0x6b: {  	_ =	shalt  }
0x6c: {  	_ =	shalt  }
0x6d: {  	_ =	shalt  }
0x6e: {  	_ =	shalt  }
0x6f: {  	_ =	shalt  }
0x70: {  	_ =	shalt  }
0x71: {  	_ =	shalt  }
0x72: {  	_ =	shalt  }
0x73: {  	_ =	shalt  }
0x74: {  	_ =	shalt  }
0x75: {  	_ =	shalt  }
0x76: {  	_ =	shalt  }
0x77: {  	_ =	shalt  }
0x78: {  	_ =	shalt  }
0x79: {  	_ =	shalt  }
0x7a: {  	_ =	shalt  }
0x7b: {  	_ =	shalt  }
0x7c: {  	_ =	shalt  }
0x7d: {  	_ =	shalt  }
0x7e: {  	_ =	shalt  }
0x7f: {  	_ =	shalt  }
0x80: {  	_ =	shalt  }
0x81: {  	_ =	shalt  }
0x82: {  	_ =	shalt  }
0x83: {  	_ =	shalt  }
0x84: {  	_ =	shalt  }
0x85: {  	_ =	shalt  }
0x86: {  	_ =	shalt  }
0x87: {  	_ =	shalt  }
.Lfunc_end0:
.L_simem_size_0:
called_computation_lowered:
.L_overlay_start_0:
0x88: {  	s2 =	sld [smem:$0x3FD9]  }
0x89: {  	s3 =	sld [smem:$0x3FFE];
	_ =	sdelay $0x1  }
0x8a: {  	s1 =	srdreg.scid  }
0x8b: {  	s0 =	sand.u32 $0x1, s1  }
0x8c: {  	s17 =	sshll.u32 s0, $0xA;
	s2 =	sadd.s32 s3, s2  }
0x8d: {  	s2 =	sadd.s32 s2, s17  }
0x8e: {  	[smem:$0x3FC3] =	sst s2  }
0x8f: {  	_ = 	snop  }
0x90: {  	s2 =	sld [smem:$0x3FD0];
	(tm) =	ssettm $0x1  }
0x91: {  	s18 =	sld [smem:$0x3FFB];
	_ =	sdelay $0x3  }
0x92: {  	_ =	strace s18  }
0x93: {  	s3 =	sld [smem:$0x3FFC];
	_ =	sdelay $0x3  }
0x94: {  	_ =	strace s3  }
0x95: {  	s3 =	sld [smem:$0x3FFD];
	_ =	sdelay $0x3  }
0x96: {  	_ =	strace s3  }
0x97: {  	_ =	strace $0x8FFFFFFF  }
0x98: {  	s19 =	sld [smem:$0x3FDB];
	_ =	sdelay $0x1  }
0x99: {  	s4 =	simm.s32 $_scs_section_size  }
0x9a: {  	s5 =	simm.s32 $_size__tile_overlayer_lowered;
	s6 =	simm.s32 $_tile_overlayer_lowered  }
0x9b: {  	s22 =	simm.s32 $0x1BFF;
	s21 =	sshll.u32 s6, $0x1;
	s3 =	sadd.s32 s4, s19  }
0x9c: {  	s7 =	simm.s32 $0x0;
	s20 =	sshll.u32 s5, $0x1;
	s5 =	sadd.s32 s21, s3  }
0x9d: {  	[timem:s7], [sflag:s22] =	dma.local [hbm:s5], s20  }
0x9e: {  	_ =	swait.ge [sflag:s22], s20  }
0x9f: {  	s4 =	ssub.s32 $0x0, s20;
	[sflag:s22] =	ssyncset.done $0x0  }
0xa0: {  	[sflag:s22] =	ssyncadd.s32 s4;
	_ =	sdelay $0x1  }
0xa1: {  	s23 =	simm.s32 $0x1B8B  }
0xa2: {  	_ =	swait.ge [sflag:s23], $0x1  }
0xa3: {  	[sflag:s23] =	ssyncset.done $0x0  }
0xa4: {  	s25 =	simm.s32 $0x1B8E;
	s24 =	sld [smem:$0x3FFE];
	[sflag:s23] =	ssyncadd.s32 $0xFFFFFFFF  }
0xa5: {  	s26 =	simm.s32 $execute0_lowered;
	[smem:$0x3FD2] =	sst s25  }
0xa6: {  	s5 =	sshll.u32 s26, $0x1;
	_ =	strace $0x80000046;
	[dreg:$0x1] =	wrdreg $0xFFFFFFFF  }
0xa7: {  	s28 =	simm.s32 $_size_execute0_lowered;
	s3 =	sadd.s32 s3, s5;
	[dreg:$0x0] =	wrdreg $0x0  }
0xa8: {  	s5 =	sshll.u32 s28, $0x1;
	[dreg:$0x2] =	wrdreg s3  }
0xa9: {  	[dreg:$0x3] =	wrdreg s5  }
0xaa: {  	[dreg:$0x4] =	wrdreg $0xC0  }
0xab: {  	_ =	task [dreg:s7], $0x5FFFF  }
0xac: {  	[dreg:$0x1] =	wrdreg $0xFFFFFFFF  }
0xad: {  	[dreg:$0x0] =	wrdreg $0x60  }
0xae: {  	[dreg:$0x2] =	wrdreg s2  }
0xaf: {  	[dreg:$0x3] =	wrdreg s24  }
0xb0: {  	[dreg:$0x4] =	wrdreg $0x4F180  }
0xb1: {  	[dreg:$0x5] =	wrdreg $0x1D7180  }
0xb2: {  	[dreg:$0x6] =	wrdreg $0x9  }
0xb3: {  	_ =	task.clear_ibuf [dreg:s7], $0x7FFFF;
	_ =	strace $0x90000046  }
0xb4: {  	s29 =	simm.s32 $0x9;
	_ =	strace $0x80000048  }
0xb5: {  	_ =	swait.ge [sflag:s29], $0x1  }
0xb6: {  	[sflag:s29] =	ssyncadd.s32 $0xFFFFFFFF  }
0xb7: {  	_ =	strace $0x90000048  }
0xb8: {  	_ =	sfence  }
0xb9: {  	s30 =	sld [smem:$0x0];
	_ =	sdelay $0x2  }
0xba: {  	s31 =	sshll.u32 s1, $0xD;
	s1 =	sshrl.u32 s1, $0x2  }
0xbb: {  	s3 =	sand.u32 $0x4000, s31;
	s1 =	sadd.s32 s1, s30  }
0xbc: {  	s0 =	sor.u32 s3, s0;
	s1 =	sshll.u32 s1, $0x11  }
0xbd: {  	s0 =	sor.u32 s1, s0  }
0xbe: {  	s0 =	sadd.s32 $0x8F2B, s0  }
0xbf: {  	[sflag:s0] =	ssyncadd.remote.s32 $0x1  }
0xc0: {  	_ =	sfence.sel $0xFFFF  }
0xc1: {  	[dreg:$0x0] =	wrdreg $0xFFFFFFFF;
	(pc) =	sbr.abs _section_cstart, $3  }
0xc2: {  	[dreg:$0x1] =	wrdreg $0xFFFFFFFF  }
0xc3: {  	_ =	task.clear_ibuf [dreg:s7], $0x2FFFF;
	_ =	strace $0x9FFFFFFF  }
0xc4: {  	(tm) =	ssettm $0x7FFFFFFF  }
0xc5: {  	_ =	shalt  }
tec
execute0_lowered:
.L_overlay_start_1:
0x0: {  	(tag) =	ssettag $0x1  }
0x1: {  	s29 =	rddreg [dreg:$0x0]  }
0x2: {  	s0 =	rddreg [dreg:$0x1]  }
0x3: {  	s1 =	rddreg [dreg:$0x2]  }
0x4: {  	s4 =	rddreg [dreg:$0x3]  }
0x5: {  	s2 =	srdreg.scid;
	s13 =	stileid.u32;
	s5 =	simm.s32 $0x0  }
0x6: {  	s30 =	simm.s32 $0x1;
	s28 =	simm.s32 $0xE;
	s31 =	simm.s32 $0xF  }
0x7: {  	s7 =	smul.u32 $0x1880, s13;
	[smem:$0x7FF] =	sst s5;
	s6 =	sadd.s32 $0x1200, s0  }
0x8: {  	s2 =	sand.u32 $0x1, s2;
	s9 =	sadd.s32 $0x24B600, s0;
	s18 =	sadd.s32 $0x24B400, s0  }
0x9: {  	s19 =	sadd.s32 $0x24B200, s0;
	_ =	strace $0x80000047;
	[dreg:$0xa] =	wrdreg s9  }
0xa: {  	s12 =	smul.u32 $0x62000, s13;
	s22 =	sshll.u32 s13, $0x6;
	[dreg:$0xb] =	wrdreg s18  }
0xb: {  	s8 =	smul.u32 $0x18800, s2;
	[dreg:$0xc] =	wrdreg s19;
	s10 =	ssub.s32 $0x2, s2  }
0xc: {  	s2 =	sshll.u32 s2, $0x4;
	s16 =	sor.u32 $0x1C10, s22;
	s11 =	sshrl.u32 s10, $0x1  }
0xd: {  	s2 =	sor.u32 s13, s2;
	s21 =	sshrl.u32 s12, $0x2;
	s23 =	sadd.s32 $0x800, s7  }
0xe: {  	s25 =	sadd.s32 $0x1000, s7;
	s26 =	sadd.s32 $0x1800, s7;
	s8 =	sadd.s32 s7, s8  }
0xf: {  	s2 =	smul.u32 $0x186A0, s2;
	s24 =	sshll.u32 s23, $0x4;
	s14 =	sshll.u32 s25, $0x4  }
0x10: {  	s15 =	sshll.u32 s26, $0x4;
	s18 =	sadd.s32 s23, s4;
	s20 =	sshll.u32 s8, $0x1  }
0x11: {  	s8 =	sshrl.u32 s8, $0x3;
	[dreg:$0x10] =	wrdreg s18;
	s9 =	sadd.s32 s20, s0  }
0x12: {  	s0 =	sadd.s32 s8, s0;
	s8 =	ssub.s32 s10, s11;
	s10 =	sadd.s32 s21, s1  }
0x13: {  	s3 =	sadd.s32 s25, s4;
	s12 =	sadd.s32 $0x3E8, s2;
	[dreg:$0xd] =	wrdreg s10  }
0x14: {  	s14 =	sadd.s32 s14, s1;
	s13 =	sadd.s32 $0x4B0, s2;
	[dreg:$0x5] =	wrdreg s12  }
0x15: {  	s15 =	sadd.s32 s15, s1;
	s19 =	sadd.s32 $0x578, s2;
	[dreg:$0x6] =	wrdreg s13  }
0x16: {  	s11 =	sadd.s32 s24, s1;
	s20 =	sadd.s32 $0x640, s2;
	[dreg:$0x7] =	wrdreg s19  }
0x17: {  	s1 =	sadd.s32 s7, s4;
	s22 =	sadd.s32 $0x708, s2;
	[dreg:$0x8] =	wrdreg s20  }
0x18: {  	s4 =	sadd.s32 s26, s4;
	s17 =	sshrl.u32 s2, $0x3;
	[dreg:$0x9] =	wrdreg s22  }
0x19: {  	s21 =	sadd.s32 $0xC8, s2;
	s23 =	sadd.s32 $0x30D4C8, s2;
	[dreg:$0xf] =	wrdreg s1  }
0x1a: {  	s24 =	sadd.s32 $0x258, s2;
	s26 =	sadd.s32 $0x24C600, s9;
	[dreg:$0x12] =	wrdreg s4  }
0x1b: {  	s2 =	sadd.s32 $0x30D658, s2;
	s9 =	sadd.s32 $0x2AE600, s0;
	[dreg:$0x17] =	wrdreg s26  }
0x1c: {  	s13 =	sadd.s32 s6, s17;
	s12 =	sadd.s32 $0x2AE800, s0;
	[dreg:$0x19] =	wrdreg s9  }
0x1d: {  	s10 =	sshrl.u32 s21, $0x3;
	s17 =	smax.u32 s8, $0x1;
	[dreg:$0x1b] =	wrdreg s12  }
0x1e: {  	s7 =	sshrl.u32 s23, $0x3;
	s19 =	sshrl.u32 s11, $0x3;
	[dreg:$0x1d] =	wrdreg s17  }
0x1f: {  	s25 =	sshrl.u32 s24, $0x3;
	s20 =	sshrl.u32 s14, $0x3;
	[dreg:$0x1e] =	wrdreg s19  }
0x20: {  	s2 =	sshrl.u32 s2, $0x3;
	s21 =	sshrl.u32 s15, $0x3;
	[dreg:$0x1f] =	wrdreg s20  }
0x21: {  	s14 =	smov.u32 s16;
	s8 =	simm.s32 $0x3;
	[smem:$0x7F8] =	sst s21  }
0x22: {  	s16 =	simm.s32 $0x4;
	s11 =	simm.s32 $0x6;
	[dreg:$0x13] =	wrdreg s13  }
0x23: {  	s15 =	simm.s32 $0x8;
	s10 =	sadd.s32 s6, s10;
	[dreg:$0xe] =	wrdreg s14  }
0x24: {  	s7 =	sadd.s32 s6, s7;
	s2 =	sadd.s32 s6, s2;
	[dreg:$0x14] =	wrdreg s10  }
0x25: {  	s22 =	sadd.s32 $0x61A80, s13;
	s23 =	sadd.s32 $0x32, s13;
	[dreg:$0x15] =	wrdreg s7  }
0x26: {  	s24 =	sadd.s32 $0x61AB2, s13;
	s26 =	sadd.s32 $0x61AE4, s13;
	[dreg:$0x18] =	wrdreg s2  }
0x27: {  	s20 =	simm.s32 $0x3E8;
	s21 =	simm.s32 $0xC8;
	[smem:$0x7F9] =	sst s22  }
0x28: {  	s19 =	simm.s32 $0x9;
	s17 =	simm.s32 $0xB;
	[smem:$0x7FA] =	sst s23  }
0x29: {  	s12 =	simm.s32 $0x0;
	s10 =	sadd.s32 $0x2AE700, s0;
	[smem:$0x7FB] =	sst s24  }
0x2a: {  	s7 =	sadd.s32 s6, s25;
	s0 =	sadd.s32 $0x2AE900, s0;
	[smem:$0x7FD] =	sst s26  }
0x2b: {  	s25 =	sadd.s32 $0x64, s13;
	s22 =	simm.s32 $0x4B0;
	[dreg:$0x16] =	wrdreg s7  }
0x2c: {  	s13 =	simm.s32 $0x5;
	s24 =	simm.s32 $0xA;
	[dreg:$0x1a] =	wrdreg s10  }
0x2d: {  	s23 =	simm.s32 $0xC;
	s7 =	smov.u32 s3;
	[dreg:$0x1c] =	wrdreg s0  }
0x2e: {  	[smem:$0x7FC] =	sst s25;
	s3 =	simm.s32 $0x4650;
	s0 =	simm.s32 $0x2  }
0x2f: {  	s10 =	simm.s32 $0x7;
	s25 =	simm.s32 $0xD;
	[dreg:$0x11] =	wrdreg s7  }
.LBB2_1:
0x30: {  	[smem:$0x7F6] =	sst s12  }
0x31: {  	s2 =	rddreg [dreg:$0xd]  }
0x32: {  	s9 =	sshrl.u32 s2, $0x3;
	s2 =	rddreg [dreg:$0xa]  }
0x33: {  	[smem:$0x7F7] =	sst s9  }
0x34: {  	[spmem:s9], [sflag:s14] =	dma.local [hbm:s2], $0x1000  }
0x35: {  	s12 =	rddreg [dreg:$0x1e]  }
0x36: {  	[spmem:s12], [sflag:s14] =	dma.local [hbm:s2], $0x1000  }
0x37: {  	s12 =	rddreg [dreg:$0x1f]  }
0x38: {  	[spmem:s12], [sflag:s14] =	dma.local [hbm:s2], $0x1000  }
0x39: {  	s12 =	sld [smem:$0x7F8];
	_ =	sdelay $0x2  }
0x3a: {  	[spmem:s12], [sflag:s14] =	dma.local [hbm:s2], $0x100  }
0x3b: {  	s26 =	simm.s32 $0x11;
	s14 =	simm.s32 $0x4718;
	s2 =	rddreg [dreg:$0xb]  }
0x3c: {  	[tilespmem:s14], [sflag:$0x11] =	stream.linear.gather [hbm4b:s2+s5], $0x800, $0x38;
	[tilespmem:$0x1EF98] =	vst v63  }
0x3d: {  	_ =	swait.ge [sflag:s26], $0x800  }
0x3e: {  	[sflag:s26] =	ssyncset.done $0x0  }
0x3f: {  	[sflag:s26] =	ssyncadd.s32 $0xFFFFF800  }
0x40: {  	[spmem:s1] =	stream.linear.scatter [tilespmem:s14], [sflag:$0x10], $0x800, $0x38;
	[tilespmem:$0x1EF98] =	vst v63  }
0x41: {  	_ = 	snop  }
0x42: {  	[spmem:s18] =	stream.linear.scatter [tilespmem:s14], [sflag:$0x10], $0x800, $0x38;
	[tilespmem:$0x1EF98] =	vst v63  }
0x43: {  	_ = 	snop  }
0x44: {  	[spmem:s7] =	stream.linear.scatter [tilespmem:s14], [sflag:$0x10], $0x800, $0x38;
	[tilespmem:$0x1EF98] =	vst v63  }
0x45: {  	_ = 	snop  }
0x46: {  	[spmem:s4] =	stream.linear.scatter [tilespmem:s14], [sflag:$0x10], $0x80, $0x38;
	[tilespmem:$0x1EF98] =	vst v63  }
0x47: {  	s18 =	rddreg [dreg:$0xc]  }
0x48: {  	[tilespmem:s3], [sflag:$0x11] =	stream.linear.gather [hbm4b:s18+s5], $0xC8, $0x38;
	[tilespmem:$0x1EF98] =	vst v63  }
0x49: {  	_ =	swait.ge [sflag:s26], $0xC8  }
0x4a: {  	[sflag:s26] =	ssyncset.done $0x0  }
0x4b: {  	s9 =	simm.s32 $0x10;
	[sflag:s26] =	ssyncadd.s32 $0xFFFFFF38  }
0x4c: {  	_ =	swait.ge [sflag:s9], $0x1000  }
0x4d: {  	[sflag:s9] =	ssyncset.done $0x0  }
0x4e: {  	[sflag:s9] =	ssyncadd.s32 $0xFFFFF000  }
0x4f: {  	_ =	swait.ge [sflag:s9], $0x1000  }
0x50: {  	[sflag:s9] =	ssyncset.done $0x0  }
0x51: {  	[sflag:s9] =	ssyncadd.s32 $0xFFFFF000  }
0x52: {  	_ =	swait.ge [sflag:s9], $0x1000  }
0x53: {  	[sflag:s9] =	ssyncset.done $0x0  }
0x54: {  	[sflag:s9] =	ssyncadd.s32 $0xFFFFF000  }
0x55: {  	_ =	swait.ge [sflag:s9], $0x100  }
0x56: {  	[sflag:s9] =	ssyncset.done $0x0  }
0x57: {  	[sflag:s9] =	ssyncadd.s32 $0xFFFFFF00  }
0x58: {  	_ =	swait.ge [sflag:s9], $0x800  }
0x59: {  	[sflag:s9] =	ssyncset.done $0x0  }
0x5a: {  	[sflag:s9] =	ssyncadd.s32 $0xFFFFF800  }
0x5b: {  	_ =	swait.ge [sflag:s9], $0x800  }
0x5c: {  	[sflag:s9] =	ssyncset.done $0x0  }
0x5d: {  	[sflag:s9] =	ssyncadd.s32 $0xFFFFF800  }
0x5e: {  	_ =	swait.ge [sflag:s9], $0x800  }
0x5f: {  	[sflag:s9] =	ssyncset.done $0x0  }
0x60: {  	[sflag:s9] =	ssyncadd.s32 $0xFFFFF800  }
0x61: {  	_ =	swait.ge [sflag:s9], $0x80  }
0x62: {  	[sflag:s9] =	ssyncset.done $0x0  }
0x63: {  	[sflag:s9] =	ssyncadd.s32 $0xFFFFFF80  }
0x64: {  	[bflag:$0x0] =	sbarrier.arrive $0xFFFF  }
0x65: {  	s1 =	rddreg [dreg:$0x13]  }
0x66: {  	s4 =	sld [smem:$0x7F9]  }
0x67: {  	[tilespmem:s5], [sflag:$0x1] =	stream.linear.gather [hbm4b:s1+s5], $0xC8, $0x38;
	[tilespmem:$0x1EF98] =	vst v63  }
0x68: {  	s7 =	rddreg [dreg:$0x14]  }
0x69: {  	[tilespmem:s20], [sflag:$0x1] =	stream.linear.gather [hbm4b:s4+s5], $0xC8, $0x38;
	[tilespmem:$0x1EF98] =	vst v63  }
0x6a: {  	s9 =	rddreg [dreg:$0x15]  }
0x6b: {  	[tilespmem:s21], [sflag:$0x2] =	stream.linear.gather [hbm4b:s7+s5], $0xC8, $0x38;
	[tilespmem:$0x1EF98] =	vst v63  }
0x6c: {  	s12 =	sld [smem:$0x7FA]  }
0x6d: {  	[tilespmem:s22], [sflag:$0x2] =	stream.linear.gather [hbm4b:s9+s5], $0xC8, $0x38;
	[tilespmem:$0x1EF98] =	vst v63  }
0x6e: {  	s18 =	simm.s32 $0x190;
	s20 =	sld [smem:$0x7FB]  }
0x6f: {  	[tilespmem:s18], [sflag:$0x3] =	stream.linear.gather [hbm4b:s12+s5], $0xC8, $0x38;
	[tilespmem:$0x1EF98] =	vst v63  }
0x70: {  	s4 =	rddreg [dreg:$0x16];
	s22 =	simm.s32 $0x578  }
0x71: {  	[tilespmem:s22], [sflag:$0x3] =	stream.linear.gather [hbm4b:s20+s5], $0xC8, $0x38;
	[tilespmem:$0x1EF98] =	vst v63  }
0x72: {  	s14 =	simm.s32 $0x258;
	s7 =	rddreg [dreg:$0x18]  }
0x73: {  	[tilespmem:s14], [sflag:$0x4] =	stream.linear.gather [hbm4b:s4+s5], $0xC8, $0x38;
	[tilespmem:$0x1EF98] =	vst v63  }
0x74: {  	s12 =	simm.s32 $0x640;
	s18 =	sld [smem:$0x7FC]  }
0x75: {  	[tilespmem:s12], [sflag:$0x4] =	stream.linear.gather [hbm4b:s7+s5], $0xC8, $0x38;
	[tilespmem:$0x1EF98] =	vst v63  }
0x76: {  	s20 =	sld [smem:$0x7FD];
	s12 =	simm.s32 $0x320  }
0x77: {  	[tilespmem:s12], [sflag:$0x5] =	stream.linear.gather [hbm4b:s18+s5], $0xC8, $0x38;
	[tilespmem:$0x1EF98] =	vst v63  }
0x78: {  	s22 =	simm.s32 $0x708  }
0x79: {  	[tilespmem:s22], [sflag:$0x5] =	stream.linear.gather [hbm4b:s20+s5], $0xC8, $0x38;
	[tilespmem:$0x1EF98] =	vst v63  }
0x7a: {  	_ =	swait.ge [sflag:s30], $0xC8  }
0x7b: {  	[sflag:s30] =	ssyncset.done $0x0  }
0x7c: {  	[sflag:s30] =	ssyncadd.s32 $0xFFFFFF38  }
0x7d: {  	_ =	swait.ge [sflag:s30], $0xC8  }
0x7e: {  	[sflag:s30] =	ssyncset.done $0x0  }
0x7f: {  	s20 =	simm.s32 $0x7D0;
	[sflag:s30] =	ssyncadd.s32 $0xFFFFFF38  }
0x80: {  	[tilespmem:s20], [sflag:$0x6] =	stream.indirect.gather [hbm4b:s29+s21], $0x10, s5, s21, $0xb8;
	[tilespmem:$0x1EF98] =	vst v63  }
0x81: {  	_ =	swait.ge [sflag:s0], $0xC8  }
0x82: {  	[sflag:s0] =	ssyncset.done $0x0  }
0x83: {  	[sflag:s0] =	ssyncadd.s32 $0xFFFFFF38  }
0x84: {  	_ =	swait.ge [sflag:s0], $0xC8  }
0x85: {  	[sflag:s0] =	ssyncset.done $0x0  }
0x86: {  	s7 =	simm.s32 $0x1450;
	[sflag:s0] =	ssyncadd.s32 $0xFFFFFF38  }
0x87: {  	[tilespmem:s7], [sflag:$0x7] =	stream.indirect.gather [hbm4b:s29+s21], $0x10, s21, s21, $0xb8;
	[tilespmem:$0x1EF98] =	vst v63  }
0x88: {  	_ =	swait.ge [sflag:s8], $0xC8  }
0x89: {  	[sflag:s8] =	ssyncset.done $0x0  }
0x8a: {  	[sflag:s8] =	ssyncadd.s32 $0xFFFFFF38  }
0x8b: {  	_ =	swait.ge [sflag:s8], $0xC8  }
0x8c: {  	[sflag:s8] =	ssyncset.done $0x0  }
0x8d: {  	s9 =	simm.s32 $0x190;
	s4 =	simm.s32 $0x20D0;
	[sflag:s8] =	ssyncadd.s32 $0xFFFFFF38  }
0x8e: {  	[tilespmem:s4], [sflag:$0x8] =	stream.indirect.gather [hbm4b:s29+s21], $0x10, s9, s21, $0xb8;
	[tilespmem:$0x1EF98] =	vst v63  }
0x8f: {  	_ =	swait.ge [sflag:s16], $0xC8  }
0x90: {  	[sflag:s16] =	ssyncset.done $0x0  }
0x91: {  	[sflag:s16] =	ssyncadd.s32 $0xFFFFFF38  }
0x92: {  	_ =	swait.ge [sflag:s16], $0xC8  }
0x93: {  	[sflag:s16] =	ssyncset.done $0x0  }
0x94: {  	s9 =	simm.s32 $0x2D50;
	[sflag:s16] =	ssyncadd.s32 $0xFFFFFF38  }
0x95: {  	[tilespmem:s9], [sflag:$0x9] =	stream.indirect.gather [hbm4b:s29+s21], $0x10, s14, s21, $0xb8;
	[tilespmem:$0x1EF98] =	vst v63  }
0x96: {  	_ =	swait.ge [sflag:s13], $0xC8  }
0x97: {  	[sflag:s13] =	ssyncset.done $0x0  }
0x98: {  	[sflag:s13] =	ssyncadd.s32 $0xFFFFFF38  }
0x99: {  	_ =	swait.ge [sflag:s13], $0xC8  }
0x9a: {  	[sflag:s13] =	ssyncset.done $0x0  }
0x9b: {  	s2 =	simm.s32 $0x39D0;
	[sflag:s13] =	ssyncadd.s32 $0xFFFFFF38  }
0x9c: {  	[tilespmem:s2], [sflag:$0xA] =	stream.indirect.gather [hbm4b:s29+s21], $0x10, s12, s21, $0xb8;
	[tilespmem:$0x1EF98] =	vst v63  }
0x9d: {  	_ =	swait.ge [sflag:s11], $0xC80  }
0x9e: {  	[sflag:s11] =	ssyncset.done $0x0  }
0x9f: {  	[sflag:s11] =	ssyncadd.s32 $0xFFFFF380  }
0xa0: {  	s1 =	simm.s32 $0x3E8;
	s18 =	rddreg [dreg:$0x2]  }
0xa1: {  	[spmem:s18] =	stream.indirect.scatter.add.f32 [tilespmem:s20], [sflag:$0xB], $0x10, s1, s21, $0xb8;
	[tilespmem:$0x1EF98] =	vst v63  }
0xa2: {  	s11 =	rddreg [dreg:$0x3]  }
0xa3: {  	[spmem:s11] =	stream.indirect.scatter.add.f32 [tilespmem:s3], [sflag:$0xB], $0x1, s1, s21, $0xb8;
	[tilespmem:$0x1EF98] =	vst v63  }
0xa4: {  	_ =	swait.ge [sflag:s10], $0xC80  }
0xa5: {  	[sflag:s10] =	ssyncset.done $0x0  }
0xa6: {  	s26 =	simm.s32 $0x4B0;
	[sflag:s10] =	ssyncadd.s32 $0xFFFFF380  }
0xa7: {  	[spmem:s18] =	stream.indirect.scatter.add.f32 [tilespmem:s7], [sflag:$0xC], $0x10, s26, s21, $0xb8;
	[tilespmem:$0x1EF98] =	vst v63  }
0xa8: {  	_ = 	snop  }
0xa9: {  	[spmem:s11] =	stream.indirect.scatter.add.f32 [tilespmem:s3], [sflag:$0xC], $0x1, s26, s21, $0xb8;
	[tilespmem:$0x1EF98] =	vst v63  }
0xaa: {  	_ =	swait.ge [sflag:s15], $0xC80  }
0xab: {  	[sflag:s15] =	ssyncset.done $0x0  }
0xac: {  	[sflag:s15] =	ssyncadd.s32 $0xFFFFF380;
	s15 =	simm.s32 $0x578  }
0xad: {  	[spmem:s18] =	stream.indirect.scatter.add.f32 [tilespmem:s4], [sflag:$0xD], $0x10, s15, s21, $0xb8;
	[tilespmem:$0x1EF98] =	vst v63  }
0xae: {  	_ = 	snop  }
0xaf: {  	[spmem:s11] =	stream.indirect.scatter.add.f32 [tilespmem:s3], [sflag:$0xD], $0x1, s15, s21, $0xb8;
	[tilespmem:$0x1EF98] =	vst v63  }
0xb0: {  	_ =	swait.ge [sflag:s19], $0xC80  }
0xb1: {  	[sflag:s19] =	ssyncset.done $0x0  }
0xb2: {  	[sflag:s19] =	ssyncadd.s32 $0xFFFFF380;
	s19 =	simm.s32 $0x640  }
0xb3: {  	[spmem:s18] =	stream.indirect.scatter.add.f32 [tilespmem:s9], [sflag:$0xE], $0x10, s19, s21, $0xb8;
	[tilespmem:$0x1EF98] =	vst v63  }
0xb4: {  	_ = 	snop  }
0xb5: {  	[spmem:s11] =	stream.indirect.scatter.add.f32 [tilespmem:s3], [sflag:$0xE], $0x1, s19, s21, $0xb8;
	[tilespmem:$0x1EF98] =	vst v63  }
0xb6: {  	_ =	swait.ge [sflag:s24], $0xC80  }
0xb7: {  	[sflag:s24] =	ssyncset.done $0x0  }
0xb8: {  	[sflag:s24] =	ssyncadd.s32 $0xFFFFF380  }
0xb9: {  	[spmem:s18] =	stream.indirect.scatter.add.f32 [tilespmem:s2], [sflag:$0xF], $0x10, s22, s21, $0xb8;
	[tilespmem:$0x1EF98] =	vst v63  }
0xba: {  	_ = 	snop  }
0xbb: {  	[spmem:s11] =	stream.indirect.scatter.add.f32 [tilespmem:s3], [sflag:$0xF], $0x1, s22, s21, $0xb8;
	[tilespmem:$0x1EF98] =	vst v63  }
0xbc: {  	_ =	swait.ge [sflag:s17], $0xC80  }
0xbd: {  	[sflag:s17] =	ssyncset.done $0x0  }
0xbe: {  	s22 =	smin.u32 s5, $0x1EE;
	[sflag:s17] =	ssyncadd.s32 $0xFFFFF380  }
0xbf: {  	s2 =	smul.u32 $0xC8, s22;
	_ =	swait.ge [sflag:s17], $0xC8  }
0xc0: {  	s24 =	rddreg [dreg:$0x5]  }
0xc1: {  	s2 =	sadd.s32 s2, s24  }
0xc2: {  	[sflag:s17] =	ssyncset.done $0x0;
	s2 =	sshrl.u32 s2, $0x3  }
0xc3: {  	[sflag:s17] =	ssyncadd.s32 $0xFFFFFF38;
	s2 =	sadd.s32 s6, s2  }
0xc4: {  	[tilespmem:s5], [sflag:$0x1] =	stream.linear.gather [hbm4b:s2+s5], $0xC8, $0x38;
	[tilespmem:$0x1EF98] =	vst v63  }
0xc5: {  	s1 =	simm.s32 $0x3E8;
	s2 =	sadd.s32 $0x61A80, s2  }
0xc6: {  	[tilespmem:s1], [sflag:$0x1] =	stream.linear.gather [hbm4b:s2+s5], $0xC8, $0x38;
	[tilespmem:$0x1EF98] =	vst v63  }
0xc7: {  	_ =	swait.ge [sflag:s23], $0xC80  }
0xc8: {  	[sflag:s23] =	ssyncset.done $0x0  }
0xc9: {  	s1 =	smin.u32 s5, $0x1ED;
	[sflag:s23] =	ssyncadd.s32 $0xFFFFF380  }
0xca: {  	s2 =	smul.u32 $0xC8, s1;
	_ =	swait.ge [sflag:s23], $0xC8  }
0xcb: {  	s3 =	rddreg [dreg:$0x6]  }
0xcc: {  	s2 =	sadd.s32 s2, s3  }
0xcd: {  	[sflag:s23] =	ssyncset.done $0x0;
	s2 =	sshrl.u32 s2, $0x3  }
0xce: {  	[sflag:s23] =	ssyncadd.s32 $0xFFFFFF38;
	s2 =	sadd.s32 s6, s2  }
0xcf: {  	[tilespmem:s21], [sflag:$0x2] =	stream.linear.gather [hbm4b:s2+s5], $0xC8, $0x38;
	[tilespmem:$0x1EF98] =	vst v63  }
0xd0: {  	s2 =	sadd.s32 $0x61A80, s2  }
0xd1: {  	[tilespmem:s26], [sflag:$0x2] =	stream.linear.gather [hbm4b:s2+s5], $0xC8, $0x38;
	[tilespmem:$0x1EF98] =	vst v63  }
0xd2: {  	_ =	swait.ge [sflag:s25], $0xC80  }
0xd3: {  	[sflag:s25] =	ssyncset.done $0x0  }
0xd4: {  	s9 =	smin.u32 s5, $0x1EC;
	[sflag:s25] =	ssyncadd.s32 $0xFFFFF380  }
0xd5: {  	s2 =	smul.u32 $0xC8, s9;
	_ =	swait.ge [sflag:s25], $0xC8  }
0xd6: {  	s10 =	smov.u32 s18;
	s18 =	smov.u32 s11;
	s11 =	rddreg [dreg:$0x7]  }
0xd7: {  	s2 =	sadd.s32 s2, s11  }
0xd8: {  	[sflag:s25] =	ssyncset.done $0x0;
	s2 =	sshrl.u32 s2, $0x3  }
0xd9: {  	s15 =	simm.s32 $0x190;
	[sflag:s25] =	ssyncadd.s32 $0xFFFFFF38;
	s2 =	sadd.s32 s6, s2  }
0xda: {  	[tilespmem:s15], [sflag:$0x3] =	stream.linear.gather [hbm4b:s2+s5], $0xC8, $0x38;
	[tilespmem:$0x1EF98] =	vst v63  }
0xdb: {  	s7 =	simm.s32 $0x578;
	s2 =	sadd.s32 $0x61A80, s2  }
0xdc: {  	[tilespmem:s7], [sflag:$0x3] =	stream.linear.gather [hbm4b:s2+s5], $0xC8, $0x38;
	[tilespmem:$0x1EF98] =	vst v63  }
0xdd: {  	_ =	swait.ge [sflag:s28], $0xC80  }
0xde: {  	[sflag:s28] =	ssyncset.done $0x0  }
0xdf: {  	s19 =	smin.u32 s5, $0x1EB;
	[sflag:s28] =	ssyncadd.s32 $0xFFFFF380  }
0xe0: {  	s2 =	smul.u32 $0xC8, s19;
	_ =	swait.ge [sflag:s28], $0xC8  }
0xe1: {  	s20 =	rddreg [dreg:$0x8]  }
0xe2: {  	s2 =	sadd.s32 s2, s20  }
0xe3: {  	[sflag:s28] =	ssyncset.done $0x0;
	s2 =	sshrl.u32 s2, $0x3  }
0xe4: {  	[sflag:s28] =	ssyncadd.s32 $0xFFFFFF38;
	s2 =	sadd.s32 s6, s2  }
0xe5: {  	[tilespmem:s14], [sflag:$0x4] =	stream.linear.gather [hbm4b:s2+s5], $0xC8, $0x38;
	[tilespmem:$0x1EF98] =	vst v63  }
0xe6: {  	s4 =	simm.s32 $0x640;
	s2 =	sadd.s32 $0x61A80, s2  }
0xe7: {  	[tilespmem:s4], [sflag:$0x4] =	stream.linear.gather [hbm4b:s2+s5], $0xC8, $0x38;
	[tilespmem:$0x1EF98] =	vst v63  }
0xe8: {  	_ =	swait.ge [sflag:s31], $0xC80  }
0xe9: {  	[sflag:s31] =	ssyncset.done $0x0  }
0xea: {  	s22 =	smin.u32 s5, $0x1EA;
	[sflag:s31] =	ssyncadd.s32 $0xFFFFF380  }
0xeb: {  	s2 =	smul.u32 $0xC8, s22;
	_ =	swait.ge [sflag:s31], $0xC8  }
0xec: {  	s24 =	rddreg [dreg:$0x9]  }
0xed: {  	s11 =	simm.s32 $0x4650;
	s2 =	sadd.s32 s2, s24  }
0xee: {  	s19 =	simm.s32 $0x8;
	[sflag:s31] =	ssyncset.done $0x0;
	s2 =	sshrl.u32 s2, $0x3  }
0xef: {  	s22 =	simm.s32 $0xA;
	[sflag:s31] =	ssyncadd.s32 $0xFFFFFF38;
	s26 =	sadd.s32 s6, s2  }
0xf0: {  	[tilespmem:s12], [sflag:$0x5] =	stream.linear.gather [hbm4b:s26+s5], $0xC8, $0x38;
	[tilespmem:$0x1EF98] =	vst v63  }
0xf1: {  	s4 =	smov.u32 s10;
	s2 =	simm.s32 $0x5;
	s9 =	sadd.s32 $0x61A80, s26  }
.LBB2_2:
0xf2: {  	s7 =	simm.s32 $0x708  }
0xf3: {  	[tilespmem:s7], [sflag:$0x5] =	stream.linear.gather [hbm4b:s9+s5], $0xC8, $0x38;
	[tilespmem:$0x1EF98] =	vst v63  }
0xf4: {  	_ =	swait.ge [sflag:s30], $0xC8  }
0xf5: {  	[sflag:s30] =	ssyncset.done $0x0  }
0xf6: {  	[sflag:s30] =	ssyncadd.s32 $0xFFFFFF38  }
0xf7: {  	_ =	swait.ge [sflag:s30], $0xC8  }
0xf8: {  	[sflag:s30] =	ssyncset.done $0x0  }
0xf9: {  	s1 =	simm.s32 $0x7D0;
	[sflag:s30] =	ssyncadd.s32 $0xFFFFFF38  }
0xfa: {  	[tilespmem:s1], [sflag:$0x6] =	stream.indirect.gather [hbm4b:s29+s21], $0x10, s5, s21, $0xb8;
	[tilespmem:$0x1EF98] =	vst v63  }
0xfb: {  	_ =	swait.ge [sflag:s0], $0xC8  }
0xfc: {  	[sflag:s0] =	ssyncset.done $0x0  }
0xfd: {  	[sflag:s0] =	ssyncadd.s32 $0xFFFFFF38  }
0xfe: {  	_ =	swait.ge [sflag:s0], $0xC8  }
0xff: {  	[sflag:s0] =	ssyncset.done $0x0  }
0x100: {  	s10 =	simm.s32 $0x1450;
	[sflag:s0] =	ssyncadd.s32 $0xFFFFFF38  }
0x101: {  	[tilespmem:s10], [sflag:$0x7] =	stream.indirect.gather [hbm4b:s29+s21], $0x10, s21, s21, $0xb8;
	[tilespmem:$0x1EF98] =	vst v63  }
0x102: {  	_ =	swait.ge [sflag:s8], $0xC8  }
0x103: {  	[sflag:s8] =	ssyncset.done $0x0  }
0x104: {  	[sflag:s8] =	ssyncadd.s32 $0xFFFFFF38  }
0x105: {  	_ =	swait.ge [sflag:s8], $0xC8  }
0x106: {  	[sflag:s8] =	ssyncset.done $0x0  }
0x107: {  	s20 =	simm.s32 $0x190;
	s15 =	simm.s32 $0x20D0;
	[sflag:s8] =	ssyncadd.s32 $0xFFFFFF38  }
0x108: {  	[tilespmem:s15], [sflag:$0x8] =	stream.indirect.gather [hbm4b:s29+s21], $0x10, s20, s21, $0xb8;
	[tilespmem:$0x1EF98] =	vst v63  }
0x109: {  	_ =	swait.ge [sflag:s16], $0xC8  }
0x10a: {  	[sflag:s16] =	ssyncset.done $0x0  }
0x10b: {  	[sflag:s16] =	ssyncadd.s32 $0xFFFFFF38  }
0x10c: {  	_ =	swait.ge [sflag:s16], $0xC8  }
0x10d: {  	[sflag:s16] =	ssyncset.done $0x0  }
0x10e: {  	s24 =	simm.s32 $0x2D50;
	[sflag:s16] =	ssyncadd.s32 $0xFFFFFF38  }
0x10f: {  	[tilespmem:s24], [sflag:$0x9] =	stream.indirect.gather [hbm4b:s29+s21], $0x10, s14, s21, $0xb8;
	[tilespmem:$0x1EF98] =	vst v63  }
0x110: {  	_ =	swait.ge [sflag:s13], $0xC8  }
0x111: {  	[sflag:s13] =	ssyncset.done $0x0  }
0x112: {  	[sflag:s13] =	ssyncadd.s32 $0xFFFFFF38  }
0x113: {  	_ =	swait.ge [sflag:s13], $0xC8  }
0x114: {  	[sflag:s13] =	ssyncset.done $0x0  }
0x115: {  	s3 =	simm.s32 $0x6;
	s14 =	simm.s32 $0x39D0;
	[sflag:s13] =	ssyncadd.s32 $0xFFFFFF38  }
0x116: {  	[tilespmem:s14], [sflag:$0xA] =	stream.indirect.gather [hbm4b:s29+s21], $0x10, s12, s21, $0xb8;
	[tilespmem:$0x1EF98] =	vst v63  }
0x117: {  	_ =	swait.ge [sflag:s3], $0xC80  }
0x118: {  	[sflag:s3] =	ssyncset.done $0x0  }
0x119: {  	[sflag:s3] =	ssyncadd.s32 $0xFFFFF380;
	s3 =	simm.s32 $0x3E8  }
0x11a: {  	[spmem:s4] =	stream.indirect.scatter.add.f32 [tilespmem:s1], [sflag:$0xB], $0x10, s3, s21, $0xb8;
	[tilespmem:$0x1EF98] =	vst v63  }
0x11b: {  	s12 =	simm.s32 $0x7  }
0x11c: {  	[spmem:s18] =	stream.indirect.scatter.add.f32 [tilespmem:s11], [sflag:$0xB], $0x1, s3, s21, $0xb8;
	[tilespmem:$0x1EF98] =	vst v63  }
0x11d: {  	_ =	swait.ge [sflag:s12], $0xC80  }
0x11e: {  	[sflag:s12] =	ssyncset.done $0x0  }
0x11f: {  	s26 =	simm.s32 $0x4B0;
	[sflag:s12] =	ssyncadd.s32 $0xFFFFF380  }
0x120: {  	[spmem:s4] =	stream.indirect.scatter.add.f32 [tilespmem:s10], [sflag:$0xC], $0x10, s26, s21, $0xb8;
	[tilespmem:$0x1EF98] =	vst v63  }
0x121: {  	_ = 	snop  }
0x122: {  	[spmem:s18] =	stream.indirect.scatter.add.f32 [tilespmem:s11], [sflag:$0xC], $0x1, s26, s21, $0xb8;
	[tilespmem:$0x1EF98] =	vst v63  }
0x123: {  	_ =	swait.ge [sflag:s19], $0xC80  }
0x124: {  	[sflag:s19] =	ssyncset.done $0x0  }
0x125: {  	s1 =	simm.s32 $0x578;
	[sflag:s19] =	ssyncadd.s32 $0xFFFFF380  }
0x126: {  	[spmem:s4] =	stream.indirect.scatter.add.f32 [tilespmem:s15], [sflag:$0xD], $0x10, s1, s21, $0xb8;
	[tilespmem:$0x1EF98] =	vst v63  }
0x127: {  	s15 =	simm.s32 $0x9  }
0x128: {  	[spmem:s18] =	stream.indirect.scatter.add.f32 [tilespmem:s11], [sflag:$0xD], $0x1, s1, s21, $0xb8;
	[tilespmem:$0x1EF98] =	vst v63  }
0x129: {  	_ =	swait.ge [sflag:s15], $0xC80  }
0x12a: {  	[sflag:s15] =	ssyncset.done $0x0  }
0x12b: {  	s10 =	simm.s32 $0x640;
	[sflag:s15] =	ssyncadd.s32 $0xFFFFF380  }
0x12c: {  	[spmem:s4] =	stream.indirect.scatter.add.f32 [tilespmem:s24], [sflag:$0xE], $0x10, s10, s21, $0xb8;
	[tilespmem:$0x1EF98] =	vst v63  }
0x12d: {  	_ = 	snop  }
0x12e: {  	[spmem:s18] =	stream.indirect.scatter.add.f32 [tilespmem:s11], [sflag:$0xE], $0x1, s10, s21, $0xb8;
	[tilespmem:$0x1EF98] =	vst v63  }
0x12f: {  	_ =	swait.ge [sflag:s22], $0xC80  }
0x130: {  	[sflag:s22] =	ssyncset.done $0x0  }
0x131: {  	[sflag:s22] =	ssyncadd.s32 $0xFFFFF380  }
0x132: {  	[spmem:s4] =	stream.indirect.scatter.add.f32 [tilespmem:s14], [sflag:$0xF], $0x10, s7, s21, $0xb8;
	[tilespmem:$0x1EF98] =	vst v63  }
0x133: {  	_ = 	snop  }
0x134: {  	[spmem:s18] =	stream.indirect.scatter.add.f32 [tilespmem:s11], [sflag:$0xF], $0x1, s7, s21, $0xb8;
	[tilespmem:$0x1EF98] =	vst v63  }
0x135: {  	_ =	swait.ge [sflag:s17], $0xC80  }
0x136: {  	s9 =	smov.u32 s2;
	[sflag:s17] =	ssyncset.done $0x0  }
0x137: {  	s24 =	smin.u32 s9, $0x1EE;
	[sflag:s17] =	ssyncadd.s32 $0xFFFFF380  }
0x138: {  	s12 =	smul.u32 $0xC8, s24;
	_ =	swait.ge [sflag:s17], $0xC8  }
0x139: {  	s7 =	rddreg [dreg:$0x5]  }
0x13a: {  	s12 =	sadd.s32 s12, s7  }
0x13b: {  	[sflag:s17] =	ssyncset.done $0x0;
	s12 =	sshrl.u32 s12, $0x3  }
0x13c: {  	[sflag:s17] =	ssyncadd.s32 $0xFFFFFF38;
	s12 =	sadd.s32 s6, s12  }
0x13d: {  	[tilespmem:s5], [sflag:$0x1] =	stream.linear.gather [hbm4b:s12+s5], $0xC8, $0x38;
	[tilespmem:$0x1EF98] =	vst v63  }
0x13e: {  	s12 =	sadd.s32 $0x61A80, s12  }
0x13f: {  	[tilespmem:s3], [sflag:$0x1] =	stream.linear.gather [hbm4b:s12+s5], $0xC8, $0x38;
	[tilespmem:$0x1EF98] =	vst v63  }
0x140: {  	_ =	swait.ge [sflag:s23], $0xC80  }
0x141: {  	[sflag:s23] =	ssyncset.done $0x0  }
0x142: {  	s14 =	smin.u32 s9, $0x1ED;
	[sflag:s23] =	ssyncadd.s32 $0xFFFFF380  }
0x143: {  	s12 =	smul.u32 $0xC8, s14;
	_ =	swait.ge [sflag:s23], $0xC8  }
0x144: {  	s24 =	rddreg [dreg:$0x6]  }
0x145: {  	s12 =	sadd.s32 s12, s24  }
0x146: {  	[sflag:s23] =	ssyncset.done $0x0;
	s12 =	sshrl.u32 s12, $0x3  }
0x147: {  	[sflag:s23] =	ssyncadd.s32 $0xFFFFFF38;
	s12 =	sadd.s32 s6, s12  }
0x148: {  	[tilespmem:s21], [sflag:$0x2] =	stream.linear.gather [hbm4b:s12+s5], $0xC8, $0x38;
	[tilespmem:$0x1EF98] =	vst v63  }
0x149: {  	s12 =	sadd.s32 $0x61A80, s12  }
0x14a: {  	[tilespmem:s26], [sflag:$0x2] =	stream.linear.gather [hbm4b:s12+s5], $0xC8, $0x38;
	[tilespmem:$0x1EF98] =	vst v63  }
0x14b: {  	_ =	swait.ge [sflag:s25], $0xC80  }
0x14c: {  	[sflag:s25] =	ssyncset.done $0x0  }
0x14d: {  	s3 =	smin.u32 s9, $0x1EC;
	[sflag:s25] =	ssyncadd.s32 $0xFFFFF380  }
0x14e: {  	s12 =	smul.u32 $0xC8, s3;
	_ =	swait.ge [sflag:s25], $0xC8  }
0x14f: {  	s7 =	rddreg [dreg:$0x7]  }
0x150: {  	s12 =	sadd.s32 s12, s7  }
0x151: {  	[sflag:s25] =	ssyncset.done $0x0;
	s12 =	sshrl.u32 s12, $0x3  }
0x152: {  	[sflag:s25] =	ssyncadd.s32 $0xFFFFFF38;
	s12 =	sadd.s32 s6, s12  }
0x153: {  	[tilespmem:s20], [sflag:$0x3] =	stream.linear.gather [hbm4b:s12+s5], $0xC8, $0x38;
	[tilespmem:$0x1EF98] =	vst v63  }
0x154: {  	s12 =	sadd.s32 $0x61A80, s12  }
0x155: {  	[tilespmem:s1], [sflag:$0x3] =	stream.linear.gather [hbm4b:s12+s5], $0xC8, $0x38;
	[tilespmem:$0x1EF98] =	vst v63  }
0x156: {  	_ =	swait.ge [sflag:s28], $0xC80  }
0x157: {  	[sflag:s28] =	ssyncset.done $0x0  }
0x158: {  	s20 =	smin.u32 s9, $0x1EB;
	[sflag:s28] =	ssyncadd.s32 $0xFFFFF380  }
0x159: {  	s12 =	smul.u32 $0xC8, s20;
	_ =	swait.ge [sflag:s28], $0xC8  }
0x15a: {  	s24 =	rddreg [dreg:$0x8]  }
0x15b: {  	s12 =	sadd.s32 s12, s24  }
0x15c: {  	[sflag:s28] =	ssyncset.done $0x0;
	s12 =	sshrl.u32 s12, $0x3  }
0x15d: {  	s14 =	simm.s32 $0x258;
	[sflag:s28] =	ssyncadd.s32 $0xFFFFFF38;
	s12 =	sadd.s32 s6, s12  }
0x15e: {  	[tilespmem:s14], [sflag:$0x4] =	stream.linear.gather [hbm4b:s12+s5], $0xC8, $0x38;
	[tilespmem:$0x1EF98] =	vst v63  }
0x15f: {  	s12 =	sadd.s32 $0x61A80, s12  }
0x160: {  	[tilespmem:s10], [sflag:$0x4] =	stream.linear.gather [hbm4b:s12+s5], $0xC8, $0x38;
	[tilespmem:$0x1EF98] =	vst v63  }
0x161: {  	_ =	swait.ge [sflag:s31], $0xC80  }
0x162: {  	[sflag:s31] =	ssyncset.done $0x0  }
0x163: {  	s9 =	smin.u32 s9, $0x1EA;
	[sflag:s31] =	ssyncadd.s32 $0xFFFFF380  }
0x164: {  	s9 =	smul.u32 $0xC8, s9;
	_ =	swait.ge [sflag:s31], $0xC8  }
0x165: {  	p0 =	sne.s32 s2, $0x1EF;
	s26 =	rddreg [dreg:$0x9]  }
.Ltmp0:
0x166: {  	s9 =	sadd.s32 s9, s26;
	(pc) =	sbr.rel @p0 .LBB2_2-.Ltmp0, $4  }
0x167: {  	[sflag:s31] =	ssyncset.done $0x0;
	s9 =	sshrl.u32 s9, $0x3  }
0x168: {  	s12 =	simm.s32 $0x320;
	[sflag:s31] =	ssyncadd.s32 $0xFFFFFF38;
	s9 =	sadd.s32 s6, s9  }
0x169: {  	[tilespmem:s12], [sflag:$0x5] =	stream.linear.gather [hbm4b:s9+s5], $0xC8, $0x38;
	[tilespmem:$0x1EF98] =	vst v63  }
0x16a: {  	s2 =	sadd.s32 $0x5, s2;
	s15 =	simm.s32 $0x708;
	s9 =	sadd.s32 $0x61A80, s9  }
0x16b: {  	[tilespmem:s15], [sflag:$0x5] =	stream.linear.gather [hbm4b:s9+s5], $0xC8, $0x38;
	[tilespmem:$0x1EF98] =	vst v63  }
0x16c: {  	_ =	swait.ge [sflag:s30], $0xC8  }
0x16d: {  	[sflag:s30] =	ssyncset.done $0x0  }
0x16e: {  	[sflag:s30] =	ssyncadd.s32 $0xFFFFFF38  }
0x16f: {  	_ =	swait.ge [sflag:s30], $0xC8  }
0x170: {  	[sflag:s30] =	ssyncset.done $0x0  }
0x171: {  	[sflag:s30] =	ssyncadd.s32 $0xFFFFFF38  }
0x172: {  	_ =	swait.ge [sflag:s0], $0xC8  }
0x173: {  	[sflag:s0] =	ssyncset.done $0x0  }
0x174: {  	[sflag:s0] =	ssyncadd.s32 $0xFFFFFF38  }
0x175: {  	_ =	swait.ge [sflag:s0], $0xC8  }
0x176: {  	[sflag:s0] =	ssyncset.done $0x0  }
0x177: {  	[sflag:s0] =	ssyncadd.s32 $0xFFFFFF38  }
0x178: {  	_ =	swait.ge [sflag:s8], $0xC8  }
0x179: {  	[sflag:s8] =	ssyncset.done $0x0  }
0x17a: {  	[sflag:s8] =	ssyncadd.s32 $0xFFFFFF38  }
0x17b: {  	_ =	swait.ge [sflag:s8], $0xC8  }
0x17c: {  	[sflag:s8] =	ssyncset.done $0x0  }
0x17d: {  	[sflag:s8] =	ssyncadd.s32 $0xFFFFFF38  }
0x17e: {  	_ =	swait.ge [sflag:s16], $0xC8  }
0x17f: {  	[sflag:s16] =	ssyncset.done $0x0  }
0x180: {  	[sflag:s16] =	ssyncadd.s32 $0xFFFFFF38  }
0x181: {  	_ =	swait.ge [sflag:s16], $0xC8  }
0x182: {  	[sflag:s16] =	ssyncset.done $0x0  }
0x183: {  	[sflag:s16] =	ssyncadd.s32 $0xFFFFFF38  }
0x184: {  	_ =	swait.ge [sflag:s13], $0xC8  }
0x185: {  	[sflag:s13] =	ssyncset.done $0x0  }
0x186: {  	[sflag:s13] =	ssyncadd.s32 $0xFFFFFF38  }
0x187: {  	_ =	swait.ge [sflag:s13], $0xC8  }
0x188: {  	[sflag:s13] =	ssyncset.done $0x0  }
0x189: {  	[sflag:s13] =	ssyncadd.s32 $0xFFFFFF38  }
0x18a: {  	[bflag:$0x0] =	sbarrier.arrive $0xFFFF  }
0x18b: {  	s3 =	sld [smem:$0x7F7]  }
0x18c: {  	s14 =	rddreg [dreg:$0xe]  }
0x18d: {  	s2 =	rddreg [dreg:$0x17]  }
0x18e: {  	[hbm:s2], [sflag:s14] =	dma.local [spmem:s3], $0x3100  }
0x18f: {  	s12 =	simm.s32 $0x4718;
	s4 =	simm.s32 $0x11;
	s1 =	rddreg [dreg:$0xf]  }
0x190: {  	[tilespmem:s12], [sflag:$0x11] =	stream.linear.gather [spmem:s1], $0x800, $0x38;
	[tilespmem:$0x1EF98] =	vst v63  }
0x191: {  	_ =	swait.ge [sflag:s4], $0x800  }
0x192: {  	[sflag:s4] =	ssyncset.done $0x0  }
0x193: {  	s10 =	rddreg [dreg:$0x19];
	[sflag:s4] =	ssyncadd.s32 $0xFFFFF800  }
0x194: {  	[hbm4b:s10+s5] =	stream.linear.scatter [tilespmem:s12], [sflag:$0x11], $0x800, $0x38;
	[tilespmem:$0x1EF98] =	vst v63  }
0x195: {  	_ =	swait.ge [sflag:s4], $0x800  }
0x196: {  	[sflag:s4] =	ssyncset.done $0x0  }
0x197: {  	s18 =	rddreg [dreg:$0x10];
	[sflag:s4] =	ssyncadd.s32 $0xFFFFF800  }
0x198: {  	[tilespmem:s12], [sflag:$0x11] =	stream.linear.gather [spmem:s18], $0x800, $0x38;
	[tilespmem:$0x1EF98] =	vst v63  }
0x199: {  	_ =	swait.ge [sflag:s4], $0x800  }
0x19a: {  	[sflag:s4] =	ssyncset.done $0x0  }
0x19b: {  	s11 =	rddreg [dreg:$0x1a];
	[sflag:s4] =	ssyncadd.s32 $0xFFFFF800  }
0x19c: {  	[hbm4b:s11+s5] =	stream.linear.scatter [tilespmem:s12], [sflag:$0x11], $0x800, $0x38;
	[tilespmem:$0x1EF98] =	vst v63  }
0x19d: {  	_ =	swait.ge [sflag:s4], $0x800  }
0x19e: {  	[sflag:s4] =	ssyncset.done $0x0  }
0x19f: {  	s7 =	rddreg [dreg:$0x11];
	[sflag:s4] =	ssyncadd.s32 $0xFFFFF800  }
0x1a0: {  	[tilespmem:s12], [sflag:$0x11] =	stream.linear.gather [spmem:s7], $0x800, $0x38;
	[tilespmem:$0x1EF98] =	vst v63  }
0x1a1: {  	_ =	swait.ge [sflag:s4], $0x800  }
0x1a2: {  	[sflag:s4] =	ssyncset.done $0x0  }
0x1a3: {  	s15 =	rddreg [dreg:$0x1b];
	[sflag:s4] =	ssyncadd.s32 $0xFFFFF800  }
0x1a4: {  	[hbm4b:s15+s5] =	stream.linear.scatter [tilespmem:s12], [sflag:$0x11], $0x800, $0x38;
	[tilespmem:$0x1EF98] =	vst v63  }
0x1a5: {  	_ =	swait.ge [sflag:s4], $0x800  }
0x1a6: {  	[sflag:s4] =	ssyncset.done $0x0  }
0x1a7: {  	s3 =	rddreg [dreg:$0x12];
	[sflag:s4] =	ssyncadd.s32 $0xFFFFF800  }
0x1a8: {  	[tilespmem:s12], [sflag:$0x11] =	stream.linear.gather [spmem:s3], $0x80, $0x38;
	[tilespmem:$0x1EF98] =	vst v63  }
0x1a9: {  	_ =	swait.ge [sflag:s4], $0x80  }
0x1aa: {  	[sflag:s4] =	ssyncset.done $0x0  }
0x1ab: {  	s20 =	simm.s32 $0x11;
	s19 =	rddreg [dreg:$0x1c];
	[sflag:s4] =	ssyncadd.s32 $0xFFFFFF80  }
0x1ac: {  	[hbm4b:s19+s5] =	stream.linear.scatter [tilespmem:s12], [sflag:$0x11], $0x80, $0x38;
	[tilespmem:$0x1EF98] =	vst v63  }
0x1ad: {  	_ =	swait.ge [sflag:s20], $0x80  }
0x1ae: {  	[sflag:s20] =	ssyncset.done $0x0  }
0x1af: {  	s22 =	simm.s32 $0x10;
	[sflag:s20] =	ssyncadd.s32 $0xFFFFFF80  }
0x1b0: {  	_ =	swait.ge [sflag:s22], $0x3100  }
0x1b1: {  	s24 =	sld [smem:$0x7F6];
	_ =	sdelay $0x2  }
0x1b2: {  	s26 =	rddreg [dreg:$0x1d];
	s12 =	sadd.s32 $0x1, s24  }
0x1b3: {  	p0 =	sne.s32 s12, s26  }
.Ltmp1:
0x1b4: {  	_ = 	snop;
	(pc) =	sbr.rel @p0 .LBB2_1-.Ltmp1, $4  }
0x1b5: {  	s10 =	simm.s32 $0x7;
	s11 =	simm.s32 $0x6  }
0x1b6: {  	s15 =	simm.s32 $0x8;
	s4 =	smov.u32 s3;
	s3 =	simm.s32 $0x4650  }
0x1b7: {  	s19 =	simm.s32 $0x9;
	s20 =	simm.s32 $0x3E8;
	[sflag:s22] =	ssyncset.done $0x0  }
0x1b8: {  	[sflag:s22] =	ssyncadd.s32 $0xFFFFCF00;
	s22 =	simm.s32 $0x4B0;
	s24 =	simm.s32 $0xA  }
0x1b9: {  	_ =	sfence.sel $0x180000  }
0x1ba: {  	[bflag:$0x0] =	sbarrier.arrive $0xFFFF  }
0x1bb: {  	_ =	strace $0x90000047  }
0x1bc: {  	s0 =	stileid.u32;
	[bflag:$0x2] =	sbarrier.arrive $0xFFFF  }
0x1bd: {  	p0 =	sne.s32 s0, $0x0;
	s0 =	rddreg [dreg:$0x4]  }
0x1be: {  	s0 =	sadd.s32 @!p0 $0x100000, s0  }
0x1bf: {  	[sflag:s0] =	ssyncadd.tile.s32 @!p0 $0x1;
	_ =	shalt  }
.Lfunc_end2:
_tile_overlayer_lowered:
.L_overlay_start_2:
0x1c0: {  	(tag) =	ssettag $0x2  }
0x1c1: {  	s0 =	rddreg [dreg:$0x0];
	s2 =	stileid.u32  }
0x1c2: {  	s1 =	rddreg [dreg:$0x1];
	p0 =	sne.s32 s2, $0x0  }
0x1c3: {  	s3 =	rddreg [dreg:$0x2];
	[bflag:$0x3] =	sbarrier.arrive $0xFFFF;
	s2 =	simm.s32 @!p0 $0x1C11  }
0x1c4: {  	[timem:s3], [sflag:s2] =	dma.local @!p0 [hbm:s0], s1  }
0x1c5: {  	s0 =	simm.s32 @!p0 $0x11  }
0x1c6: {  	_ =	swait.ge @!p0 [sflag:s0], s1  }
0x1c7: {  	s1 =	ssub.s32 @!p0 $0x0, s1;
	[sflag:s0] =	ssyncset.done @!p0 $0x0  }
0x1c8: {  	[sflag:s0] =	ssyncadd.s32 @!p0 s1  }
0x1c9: {  	[bflag:$0x3] =	sbarrier.arrive $0xFFFF  }
0x1ca: {  	_ =	shalt  }

</sc_bundles>
